<compile_context>
chip_gen: v7x
topology: tpu7x:2x2x1
jax: 0.10.2.dev20260603
libtpu: 0.0.44.dev20260713+nightly
codegen_flags: <defaults>
</compile_context>

<pallas_src>
import functools

import jax
import jax.numpy as jnp
from jax import lax
from jax.experimental import pallas as pl
from jax.experimental.pallas import tpu as pltpu
from jax.experimental.pallas import tpu_sc as plsc

_C = 14
_D = 64
_PAD = 15
_F = 128
_ZF = 96
_R = 384
_NW = 32
_B = 4096


def _sc_hist(n, x_hbm, feat_hbm, x_v, feat_v):
    f32 = jnp.float32
    i32 = jnp.int32
    nchunks = n // _R
    kmax = (nchunks + _NW - 1) // _NW
    wid = lax.axis_index("s") * 2 + lax.axis_index("c")
    iota = lax.iota(i32, 16)
    ones = jnp.ones((16,), f32)
    zeros = jnp.zeros((16,), f32)



    def chunk_body(k, carry):
        cid = wid + k * _NW

        @pl.when(cid < nchunks)
        def _():
            base = pl.multiple_of(cid * _R, 64)
            pltpu.sync_copy(x_hbm.at[pl.ds(base, _R)], x_v)

            def zbody(r, c2):
                for u in range(_ZF // 16):
                    feat_v[r, pl.ds(u * 16, 16)] = zeros
                return c2

            lax.fori_loop(0, _R, zbody, 0)

            def gbody(g, c2):
                rows0 = g * 16 + iota
                valid = rows0 < _R
                rows = jnp.minimum(rows0, _R - 1)
                col0 = iota * 0
                afs = [plsc.load_gather(x_v, [rows, col0 + c])
                       for c in range(_C)]
                sv = lax.bitwise_and(
                    plsc.load_gather(x_v, [rows, col0 + _C]), 31)
                cnt = zeros
                for c in range(_C):
                    cnt = cnt + jnp.where(
                        lax.bitwise_and(afs[c], 15) != _PAD, 1.0, 0.0)
                recip = 1.0 / (cnt + 1e-10)
                for c in range(_C):
                    ac = lax.bitwise_and(
                        lax.shift_right_logical(afs[c], 4), 63)
                    apc = lax.bitwise_and(afs[c], 15)
                    plsc.addupdate_scatter(feat_v, [rows, ac], recip,
                                           mask=valid & (apc != _PAD))
                    plsc.addupdate_scatter(feat_v, [rows, apc + 40],
                                           recip, mask=valid)
                plsc.addupdate_scatter(feat_v, [rows, sv + 56], ones,
                                       mask=valid)
                return c2

            lax.fori_loop(0, (_R + 15) // 16, gbody, 0)
            pltpu.sync_copy(feat_v, feat_hbm.at[pl.ds(base, _R)])

        return carry

    lax.fori_loop(0, kmax, chunk_body, 0)


def _tc_body(feat_ref, rp_ref, t_ref, st_ref, out_ref):
    f32 = jnp.float32
    full = jnp.dot(feat_ref[...], t_ref[...], preferred_element_type=f32,
                   precision=lax.Precision.HIGHEST)
    rp = rp_ref[...].astype(f32)
    rpb = jnp.dot(rp, jnp.ones((1, 256), f32), preferred_element_type=f32)
    oh = (rpb == lax.broadcasted_iota(jnp.int32, (1, 256), 1).astype(f32))
    sinrows = jnp.dot(oh.astype(f32), st_ref[...], preferred_element_type=f32,
                      precision=lax.Precision.HIGHEST)
    out_ref[:, 0:_D] = full[:, 0:_D] + sinrows
    out_ref[:, _D:2 * _D] = full[:, _D:2 * _D]


def kernel(S, RP, A, AP, res_table, atom_table, atom_pos_table):
    f32 = jnp.float32
    i32 = jnp.int32
    n = S.shape[0]
    assert _R % 8 == 0 and (_R // 8) % 8 == 0 and _B % 64 == 0
    npd = (n + _R - 1) // _R * _R

    af = A * 16 + AP
    packed = jnp.concatenate(
        [af, S[:, None], jnp.zeros((n, 1), i32)], axis=1)
    packed = jnp.pad(packed, ((0, npd - n), (0, 0)))

    mesh = plsc.VectorSubcoreMesh(core_axis_name="c", subcore_axis_name="s")
    sc = pl.kernel(
        functools.partial(_sc_hist, npd),
        out_type=jax.ShapeDtypeStruct((npd, _F), f32),
        mesh=mesh,
        compiler_params=pltpu.CompilerParams(needs_layout_passes=False),
        scratch_types=[
            pltpu.VMEM((_R, 16), i32),
            pltpu.VMEM((_R, _F), f32),
        ],
    )
    feat = sc(packed)

    T = jnp.zeros((_F, 2 * _D), f32)
    T = T.at[0:38, _D:2 * _D].set(atom_table)
    T = T.at[40:56, _D:2 * _D].set(atom_pos_table)
    T = T.at[40 + _PAD, :].set(0.0)
    T = T.at[56:81, 0:_D].set(res_table)
    pos = jnp.arange(256, dtype=f32)[:, None]
    idx = jnp.power(10000.0,
                    -2.0 * jnp.arange(_D // 2, dtype=f32) / _D)[None, :]
    emb = pos * idx
    st = jnp.stack([jnp.sin(emb), jnp.cos(emb)], axis=-1).reshape(256, _D)

    out = pl.pallas_call(
        _tc_body,
        grid=((n + _B - 1) // _B,),
        in_specs=[
            pl.BlockSpec((_B, _F), lambda i: (i, 0)),
            pl.BlockSpec((_B, 1), lambda i: (i, 0)),
            pl.BlockSpec((_F, 2 * _D), lambda i: (0, 0)),
            pl.BlockSpec((256, _D), lambda i: (0, 0)),
        ],
        out_specs=pl.BlockSpec((_B, 2 * _D), lambda i: (i, 0)),
        out_shape=jax.ShapeDtypeStruct((n, 2 * _D), f32),
    )(feat, RP[:, None], T, st)
    return out

# --- scband reference (transcript-rebuilt; emitter-appended) ---
"""Pipeline reference for scband-amino-acid-embedding-45655502357207 (READ-ONLY COPY).

The authoritative reference and input builder live on the scoring server;
editing this copy changes nothing except your own understanding.
"""

import jax, jax.numpy as jnp
import numpy as np

RES_EMBED_SIZE = 64
ATOM_PAD_ID = 15
EPS = 1e-10


def _sin_pos_embed(position_ids, output_dim):
    # SinusoidalPositionEmbedding.forward
    pos = position_ids[None].astype(jnp.float32)  # [1, N]
    indices = jnp.arange(output_dim // 2, dtype=jnp.float32)
    indices = jnp.power(10000.0, -2.0 * indices / output_dim)
    emb = jnp.einsum('bn,d->bnd', pos, indices)  # [1, N, D/2]
    emb = jnp.stack([jnp.sin(emb), jnp.cos(emb)], axis=-1)  # [1, N, D/2, 2]
    return emb.reshape(-1, output_dim)  # [N, D]


def setup_inputs(seed: int = 0) -> dict:
    key = jax.random.key(seed)
    ks = jax.random.split(key, 7)
    N = 500000
    C = 14
    S = jax.random.randint(ks[0], (N,), 0, 25, dtype=jnp.int64 if jax.config.jax_enable_x64 else jnp.int32).astype(jnp.int32)
    RP = jax.random.randint(ks[1], (N,), 0, 256).astype(jnp.int32)
    A = jax.random.randint(ks[2], (N, C), 0, 38).astype(jnp.int32)
    AP = jax.random.randint(ks[3], (N, C), 0, 16).astype(jnp.int32)
    res_table = jax.random.normal(ks[4], (25, 64), dtype=jnp.float32) * 0.02
    atom_table = jax.random.normal(ks[5], (38, 64), dtype=jnp.float32) * 0.02
    atom_pos_table = jax.random.normal(ks[6], (16, 64), dtype=jnp.float32) * 0.02
    return {"S": S, "RP": RP, "A": A, "AP": AP,
            "res_table": res_table, "atom_table": atom_table,
            "atom_pos_table": atom_pos_table}


def reference(S, RP, A, AP, res_table, atom_table, atom_pos_table):
    # residue embedding + sinusoidal relative position embedding
    res_embed = jnp.take(res_table, S, axis=0) + _sin_pos_embed(RP, RES_EMBED_SIZE)  # [N, 64]
    # atom embedding + atom position embedding
    atom_embed = jnp.take(atom_table, A, axis=0) + jnp.take(atom_pos_table, AP, axis=0)  # [N, C, 64]
    atom_not_pad = (AP != ATOM_PAD_ID)  # [N, C]
    denom = jnp.sum(atom_not_pad, axis=-1, keepdims=True) + EPS  # [N, 1]
    atom_embed = jnp.sum(atom_embed * atom_not_pad[..., None], axis=1) / denom  # [N, 64]
    return jnp.concatenate([res_embed, atom_embed], axis=-1)  # [N, 128]

if __name__ == "__main__":
    import jax
    _d = setup_inputs()
    print(jax.jit(kernel)(*tuple(_d.values())))

</pallas_src>

<mosaic_0001>
#map = affine_map<(d0, d1) -> (0, 0)>
module attributes {stable_mosaic.version = 14 : i64} {
  func.func @_sc_hist(%arg0: i32, %arg1: i32, %arg2: memref<500352x16xi32, #tpu.memory_space<hbm>>, %arg3: memref<500352x128xf32, #tpu.memory_space<hbm>>, %arg4: memref<384x16xi32, #tpu.memory_space<vmem>>, %arg5: memref<384x128xf32, #tpu.memory_space<vmem>>) attributes {dimension_semantics = [#tpu.dimension_semantics<core_parallel>, #tpu.dimension_semantics<subcore_parallel>], iteration_bounds = array<i64: 2, 16>, scalar_prefetch = 0 : i64, scratch_operands = 2 : i64, tpu.core_type = #tpu.core_type<sc_vector_subcore>, window_params = [{transform_indices = #map}, {transform_indices = #map}]} {
    %mul3A = arith.constant 2 : i32
    %mul3A_0 = arith.muli %arg1, %mul3A : i32
    %add3A = arith.addi %mul3A_0, %arg0 : i32
    %iota3A = tpu.iota {dimensions = array<i32: 0>} : vector<16xi32>
    %broadcast_in_dim3A = arith.constant 1.000000e+00 : f32
    %broadcast_in_dim3A_1 = vector.broadcast %broadcast_in_dim3A : f32 to vector<16xf32>
    %broadcast_in_dim3A_2 = arith.constant 0.000000e+00 : f32
    %broadcast_in_dim3A_3 = vector.broadcast %broadcast_in_dim3A_2 : f32 to vector<16xf32>
    %scan3A = arith.constant 0 : i32
    %scan3A_4 = arith.constant 0 : i32
    %scan3A_5 = arith.constant 41 : i32
    %scan3A_6 = arith.addi %scan3A_4, %scan3A_5 : i32
    %scan3A_7 = arith.constant 1 : i32
    scf.for %scan3A_9 = %scan3A_4 to %scan3A_6 step %scan3A_7  : i32 {
      %mul3A_10 = arith.constant 32 : i32
      %mul3A_11 = arith.muli %scan3A_9, %mul3A_10 : i32
      %add3A_12 = arith.addi %add3A, %mul3A_11 : i32
      %lt3A = arith.constant 1303 : i32
      %lt3A_13 = arith.cmpi slt, %add3A_12, %lt3A : i32
      %convert_element_type3A = arith.extui %lt3A_13 : i1 to i32
      %cond3A = arith.constant 0 : i32
      %cond3A_14 = arith.cmpi ne, %convert_element_type3A, %cond3A : i32
      scf.if %cond3A_14 {
        %mul3A_15 = arith.constant 384 : i32
        %mul3A_16 = arith.muli %add3A_12, %mul3A_15 : i32
        %multiple_of3A = tpu.assume_multiple %mul3A_16, 64 : i32
        "tpu.region"() ({
          %run_scoped3A = tpu.sem_alloc : memref<!tpu.dma_semaphore, #tpu.memory_space<semaphore_mem>>
          %dma_start3A = arith.constant 0 : i32
          %dma_start3A_29 = tpu.memref_slice %arg2[%multiple_of3A, %dma_start3A] : memref<500352x16xi32, #tpu.memory_space<hbm>> -> memref<384x16xi32, #tpu.memory_space<hbm>>
          %dma_start3A_30 = arith.constant 0 : i32
          %dma_start3A_31 = tpu.memref_slice %arg2[%multiple_of3A, %dma_start3A_30] : memref<500352x16xi32, #tpu.memory_space<hbm>> -> memref<384x16xi32, #tpu.memory_space<hbm>>
          tpu.enqueue_dma source(%dma_start3A_31 : memref<384x16xi32, #tpu.memory_space<hbm>>) target(%arg4 : memref<384x16xi32, #tpu.memory_space<vmem>>) target_semaphore(%run_scoped3A : memref<!tpu.dma_semaphore, #tpu.memory_space<semaphore_mem>>)
          %dma_wait3A = arith.constant 0 : i32
          %dma_wait3A_32 = tpu.memref_slice %arg2[%multiple_of3A, %dma_wait3A] : memref<500352x16xi32, #tpu.memory_space<hbm>> -> memref<384x16xi32, #tpu.memory_space<hbm>>
          %dma_wait3A_33 = arith.constant 0 : i32
          %dma_wait3A_34 = tpu.memref_slice %arg2[%multiple_of3A, %dma_wait3A_33] : memref<500352x16xi32, #tpu.memory_space<hbm>> -> memref<384x16xi32, #tpu.memory_space<hbm>>
          tpu.wait_dma2 semaphore(%run_scoped3A : memref<!tpu.dma_semaphore, #tpu.memory_space<semaphore_mem>>) src(%dma_wait3A_34 : memref<384x16xi32, #tpu.memory_space<hbm>>) dst(%arg4 : memref<384x16xi32, #tpu.memory_space<vmem>>)
          tpu.yield
        }) : () -> ()
        %scan3A_17 = arith.constant 0 : i32
        %scan3A_18 = arith.constant 0 : i32
        %scan3A_19 = arith.constant 384 : i32
        %scan3A_20 = arith.addi %scan3A_18, %scan3A_19 : i32
        %scan3A_21 = arith.constant 1 : i32
        scf.for %scan3A_29 = %scan3A_18 to %scan3A_20 step %scan3A_21  : i32 {
          %swap3A = arith.index_cast %scan3A_29 : i32 to index
          %swap3A_30 = arith.constant 0 : index
          %swap3A_31 = tpu.vector_load %arg5[%swap3A, %swap3A_30] {strides = array<i32>} : memref<384x128xf32, #tpu.memory_space<vmem>>, vector<16xf32>,
          tpu.vector_store %arg5[%swap3A, %swap3A_30], %broadcast_in_dim3A_3 {strides = array<i32>} : memref<384x128xf32, #tpu.memory_space<vmem>>, vector<16xf32>,
          %swap3A_32 = arith.index_cast %scan3A_29 : i32 to index
          %swap3A_33 = arith.constant 16 : index
          %swap3A_34 = tpu.vector_load %arg5[%swap3A_32, %swap3A_33] {strides = array<i32>} : memref<384x128xf32, #tpu.memory_space<vmem>>, vector<16xf32>,
          tpu.vector_store %arg5[%swap3A_32, %swap3A_33], %broadcast_in_dim3A_3 {strides = array<i32>} : memref<384x128xf32, #tpu.memory_space<vmem>>, vector<16xf32>,
          %swap3A_35 = arith.index_cast %scan3A_29 : i32 to index
          %swap3A_36 = arith.constant 32 : index
          %swap3A_37 = tpu.vector_load %arg5[%swap3A_35, %swap3A_36] {strides = array<i32>} : memref<384x128xf32, #tpu.memory_space<vmem>>, vector<16xf32>,
          tpu.vector_store %arg5[%swap3A_35, %swap3A_36], %broadcast_in_dim3A_3 {strides = array<i32>} : memref<384x128xf32, #tpu.memory_space<vmem>>, vector<16xf32>,
          %swap3A_38 = arith.index_cast %scan3A_29 : i32 to index
          %swap3A_39 = arith.constant 48 : index
          %swap3A_40 = tpu.vector_load %arg5[%swap3A_38, %swap3A_39] {strides = array<i32>} : memref<384x128xf32, #tpu.memory_space<vmem>>, vector<16xf32>,
          tpu.vector_store %arg5[%swap3A_38, %swap3A_39], %broadcast_in_dim3A_3 {strides = array<i32>} : memref<384x128xf32, #tpu.memory_space<vmem>>, vector<16xf32>,
          %swap3A_41 = arith.index_cast %scan3A_29 : i32 to index
          %swap3A_42 = arith.constant 64 : index
          %swap3A_43 = tpu.vector_load %arg5[%swap3A_41, %swap3A_42] {strides = array<i32>} : memref<384x128xf32, #tpu.memory_space<vmem>>, vector<16xf32>,
          tpu.vector_store %arg5[%swap3A_41, %swap3A_42], %broadcast_in_dim3A_3 {strides = array<i32>} : memref<384x128xf32, #tpu.memory_space<vmem>>, vector<16xf32>,
          %swap3A_44 = arith.index_cast %scan3A_29 : i32 to index
          %swap3A_45 = arith.constant 80 : index
          %swap3A_46 = tpu.vector_load %arg5[%swap3A_44, %swap3A_45] {strides = array<i32>} : memref<384x128xf32, #tpu.memory_space<vmem>>, vector<16xf32>,
          tpu.vector_store %arg5[%swap3A_44, %swap3A_45], %broadcast_in_dim3A_3 {strides = array<i32>} : memref<384x128xf32, #tpu.memory_space<vmem>>, vector<16xf32>,
        }
        %scan3A_22 = arith.constant 384 : i32
        %scan3A_23 = arith.constant 0 : i32
        %scan3A_24 = arith.constant 0 : i32
        %scan3A_25 = arith.constant 24 : i32
        %scan3A_26 = arith.addi %scan3A_24, %scan3A_25 : i32
        %scan3A_27 = arith.constant 1 : i32
        scf.for %scan3A_29 = %scan3A_24 to %scan3A_26 step %scan3A_27  : i32 {
          %mul3A_30 = arith.constant 16 : i32
          %mul3A_31 = arith.muli %scan3A_29, %mul3A_30 : i32
          %add3A_32 = vector.broadcast %mul3A_31 : i32 to vector<16xi32>
          %add3A_33 = arith.addi %add3A_32, %iota3A : vector<16xi32>
          %lt3A_34 = arith.constant 384 : i32
          %lt3A_35 = vector.broadcast %lt3A_34 : i32 to vector<16xi32>
          %lt3A_36 = arith.cmpi slt, %add3A_33, %lt3A_35 : vector<16xi32>
          %min3A = arith.constant 383 : i32
          %min3A_37 = vector.broadcast %min3A : i32 to vector<16xi32>
          %min3A_38 = arith.minsi %add3A_33, %min3A_37 : vector<16xi32>
          %mul3A_39 = arith.constant 0 : i32
          %mul3A_40 = vector.broadcast %mul3A_39 : i32 to vector<16xi32>
          %mul3A_41 = arith.muli %iota3A, %mul3A_40 : vector<16xi32>
          %add3A_42 = arith.constant 0 : i32
          %add3A_43 = vector.broadcast %add3A_42 : i32 to vector<16xi32>
          %add3A_44 = arith.addi %mul3A_41, %add3A_43 : vector<16xi32>
          %gather3A = tpu.vector_load_idx %arg4[%min3A_38, %add3A_44] : memref<384x16xi32, #tpu.memory_space<vmem>>[vector<16xi32>, vector<16xi32>], vector<16xi32>,
          %add3A_45 = arith.constant 1 : i32
          %add3A_46 = vector.broadcast %add3A_45 : i32 to vector<16xi32>
          %add3A_47 = arith.addi %mul3A_41, %add3A_46 : vector<16xi32>
          %gather3A_48 = tpu.vector_load_idx %arg4[%min3A_38, %add3A_47] : memref<384x16xi32, #tpu.memory_space<vmem>>[vector<16xi32>, vector<16xi32>], vector<16xi32>,
          %add3A_49 = arith.constant 2 : i32
          %add3A_50 = vector.broadcast %add3A_49 : i32 to vector<16xi32>
          %add3A_51 = arith.addi %mul3A_41, %add3A_50 : vector<16xi32>
          %gather3A_52 = tpu.vector_load_idx %arg4[%min3A_38, %add3A_51] : memref<384x16xi32, #tpu.memory_space<vmem>>[vector<16xi32>, vector<16xi32>], vector<16xi32>,
          %add3A_53 = arith.constant 3 : i32
          %add3A_54 = vector.broadcast %add3A_53 : i32 to vector<16xi32>
          %add3A_55 = arith.addi %mul3A_41, %add3A_54 : vector<16xi32>
          %gather3A_56 = tpu.vector_load_idx %arg4[%min3A_38, %add3A_55] : memref<384x16xi32, #tpu.memory_space<vmem>>[vector<16xi32>, vector<16xi32>], vector<16xi32>,
          %add3A_57 = arith.constant 4 : i32
          %add3A_58 = vector.broadcast %add3A_57 : i32 to vector<16xi32>
          %add3A_59 = arith.addi %mul3A_41, %add3A_58 : vector<16xi32>
          %gather3A_60 = tpu.vector_load_idx %arg4[%min3A_38, %add3A_59] : memref<384x16xi32, #tpu.memory_space<vmem>>[vector<16xi32>, vector<16xi32>], vector<16xi32>,
          %add3A_61 = arith.constant 5 : i32
          %add3A_62 = vector.broadcast %add3A_61 : i32 to vector<16xi32>
          %add3A_63 = arith.addi %mul3A_41, %add3A_62 : vector<16xi32>
          %gather3A_64 = tpu.vector_load_idx %arg4[%min3A_38, %add3A_63] : memref<384x16xi32, #tpu.memory_space<vmem>>[vector<16xi32>, vector<16xi32>], vector<16xi32>,
          %add3A_65 = arith.constant 6 : i32
          %add3A_66 = vector.broadcast %add3A_65 : i32 to vector<16xi32>
          %add3A_67 = arith.addi %mul3A_41, %add3A_66 : vector<16xi32>
          %gather3A_68 = tpu.vector_load_idx %arg4[%min3A_38, %add3A_67] : memref<384x16xi32, #tpu.memory_space<vmem>>[vector<16xi32>, vector<16xi32>], vector<16xi32>,
          %add3A_69 = arith.constant 7 : i32
          %add3A_70 = vector.broadcast %add3A_69 : i32 to vector<16xi32>
          %add3A_71 = arith.addi %mul3A_41, %add3A_70 : vector<16xi32>
          %gather3A_72 = tpu.vector_load_idx %arg4[%min3A_38, %add3A_71] : memref<384x16xi32, #tpu.memory_space<vmem>>[vector<16xi32>, vector<16xi32>], vector<16xi32>,
          %add3A_73 = arith.constant 8 : i32
          %add3A_74 = vector.broadcast %add3A_73 : i32 to vector<16xi32>
          %add3A_75 = arith.addi %mul3A_41, %add3A_74 : vector<16xi32>
          %gather3A_76 = tpu.vector_load_idx %arg4[%min3A_38, %add3A_75] : memref<384x16xi32, #tpu.memory_space<vmem>>[vector<16xi32>, vector<16xi32>], vector<16xi32>,
          %add3A_77 = arith.constant 9 : i32
          %add3A_78 = vector.broadcast %add3A_77 : i32 to vector<16xi32>
          %add3A_79 = arith.addi %mul3A_41, %add3A_78 : vector<16xi32>
          %gather3A_80 = tpu.vector_load_idx %arg4[%min3A_38, %add3A_79] : memref<384x16xi32, #tpu.memory_space<vmem>>[vector<16xi32>, vector<16xi32>], vector<16xi32>,
          %add3A_81 = arith.constant 10 : i32
          %add3A_82 = vector.broadcast %add3A_81 : i32 to vector<16xi32>
          %add3A_83 = arith.addi %mul3A_41, %add3A_82 : vector<16xi32>
          %gather3A_84 = tpu.vector_load_idx %arg4[%min3A_38, %add3A_83] : memref<384x16xi32, #tpu.memory_space<vmem>>[vector<16xi32>, vector<16xi32>], vector<16xi32>,
          %add3A_85 = arith.constant 11 : i32
          %add3A_86 = vector.broadcast %add3A_85 : i32 to vector<16xi32>
          %add3A_87 = arith.addi %mul3A_41, %add3A_86 : vector<16xi32>
          %gather3A_88 = tpu.vector_load_idx %arg4[%min3A_38, %add3A_87] : memref<384x16xi32, #tpu.memory_space<vmem>>[vector<16xi32>, vector<16xi32>], vector<16xi32>,
          %add3A_89 = arith.constant 12 : i32
          %add3A_90 = vector.broadcast %add3A_89 : i32 to vector<16xi32>
          %add3A_91 = arith.addi %mul3A_41, %add3A_90 : vector<16xi32>
          %gather3A_92 = tpu.vector_load_idx %arg4[%min3A_38, %add3A_91] : memref<384x16xi32, #tpu.memory_space<vmem>>[vector<16xi32>, vector<16xi32>], vector<16xi32>,
          %add3A_93 = arith.constant 13 : i32
          %add3A_94 = vector.broadcast %add3A_93 : i32 to vector<16xi32>
          %add3A_95 = arith.addi %mul3A_41, %add3A_94 : vector<16xi32>
          %gather3A_96 = tpu.vector_load_idx %arg4[%min3A_38, %add3A_95] : memref<384x16xi32, #tpu.memory_space<vmem>>[vector<16xi32>, vector<16xi32>], vector<16xi32>,
          %add3A_97 = arith.constant 14 : i32
          %add3A_98 = vector.broadcast %add3A_97 : i32 to vector<16xi32>
          %add3A_99 = arith.addi %mul3A_41, %add3A_98 : vector<16xi32>
          %gather3A_100 = tpu.vector_load_idx %arg4[%min3A_38, %add3A_99] : memref<384x16xi32, #tpu.memory_space<vmem>>[vector<16xi32>, vector<16xi32>], vector<16xi32>,
          %and3A = arith.constant 31 : i32
          %and3A_101 = vector.broadcast %and3A : i32 to vector<16xi32>
          %and3A_102 = arith.andi %gather3A_100, %and3A_101 : vector<16xi32>
          %and3A_103 = arith.constant 15 : i32
          %and3A_104 = vector.broadcast %and3A_103 : i32 to vector<16xi32>
          %and3A_105 = arith.andi %gather3A, %and3A_104 : vector<16xi32>
          %ne3A = arith.constant 15 : i32
          %ne3A_106 = vector.broadcast %ne3A : i32 to vector<16xi32>
          %ne3A_107 = arith.cmpi ne, %and3A_105, %ne3A_106 : vector<16xi32>
          %jit3A = arith.constant 1.000000e+00 : f32
          %jit3A_108 = arith.constant 0.000000e+00 : f32
          %broadcast_in_dim3A_109 = vector.broadcast %jit3A : f32 to vector<16xf32>
          %broadcast_in_dim3A_110 = vector.broadcast %jit3A_108 : f32 to vector<16xf32>
          %select_n3A = arith.select %ne3A_107, %broadcast_in_dim3A_109, %broadcast_in_dim3A_110 : vector<16xi1>, vector<16xf32>
          %add3A_111 = arith.addf %broadcast_in_dim3A_3, %select_n3A : vector<16xf32>
          %and3A_112 = arith.constant 15 : i32
          %and3A_113 = vector.broadcast %and3A_112 : i32 to vector<16xi32>
          %and3A_114 = arith.andi %gather3A_48, %and3A_113 : vector<16xi32>
          %ne3A_115 = arith.constant 15 : i32
          %ne3A_116 = vector.broadcast %ne3A_115 : i32 to vector<16xi32>
          %ne3A_117 = arith.cmpi ne, %and3A_114, %ne3A_116 : vector<16xi32>
          %jit3A_118 = arith.constant 1.000000e+00 : f32
          %jit3A_119 = arith.constant 0.000000e+00 : f32
          %broadcast_in_dim3A_120 = vector.broadcast %jit3A_118 : f32 to vector<16xf32>
          %broadcast_in_dim3A_121 = vector.broadcast %jit3A_119 : f32 to vector<16xf32>
          %select_n3A_122 = arith.select %ne3A_117, %broadcast_in_dim3A_120, %broadcast_in_dim3A_121 : vector<16xi1>, vector<16xf32>
          %add3A_123 = arith.addf %add3A_111, %select_n3A_122 : vector<16xf32>
          %and3A_124 = arith.constant 15 : i32
          %and3A_125 = vector.broadcast %and3A_124 : i32 to vector<16xi32>
          %and3A_126 = arith.andi %gather3A_52, %and3A_125 : vector<16xi32>
          %ne3A_127 = arith.constant 15 : i32
          %ne3A_128 = vector.broadcast %ne3A_127 : i32 to vector<16xi32>
          %ne3A_129 = arith.cmpi ne, %and3A_126, %ne3A_128 : vector<16xi32>
          %jit3A_130 = arith.constant 1.000000e+00 : f32
          %jit3A_131 = arith.constant 0.000000e+00 : f32
          %broadcast_in_dim3A_132 = vector.broadcast %jit3A_130 : f32 to vector<16xf32>
          %broadcast_in_dim3A_133 = vector.broadcast %jit3A_131 : f32 to vector<16xf32>
          %select_n3A_134 = arith.select %ne3A_129, %broadcast_in_dim3A_132, %broadcast_in_dim3A_133 : vector<16xi1>, vector<16xf32>
          %add3A_135 = arith.addf %add3A_123, %select_n3A_134 : vector<16xf32>
          %and3A_136 = arith.constant 15 : i32
          %and3A_137 = vector.broadcast %and3A_136 : i32 to vector<16xi32>
          %and3A_138 = arith.andi %gather3A_56, %and3A_137 : vector<16xi32>
          %ne3A_139 = arith.constant 15 : i32
          %ne3A_140 = vector.broadcast %ne3A_139 : i32 to vector<16xi32>
          %ne3A_141 = arith.cmpi ne, %and3A_138, %ne3A_140 : vector<16xi32>
          %jit3A_142 = arith.constant 1.000000e+00 : f32
          %jit3A_143 = arith.constant 0.000000e+00 : f32
          %broadcast_in_dim3A_144 = vector.broadcast %jit3A_142 : f32 to vector<16xf32>
          %broadcast_in_dim3A_145 = vector.broadcast %jit3A_143 : f32 to vector<16xf32>
          %select_n3A_146 = arith.select %ne3A_141, %broadcast_in_dim3A_144, %broadcast_in_dim3A_145 : vector<16xi1>, vector<16xf32>
          %add3A_147 = arith.addf %add3A_135, %select_n3A_146 : vector<16xf32>
          %and3A_148 = arith.constant 15 : i32
          %and3A_149 = vector.broadcast %and3A_148 : i32 to vector<16xi32>
          %and3A_150 = arith.andi %gather3A_60, %and3A_149 : vector<16xi32>
          %ne3A_151 = arith.constant 15 : i32
          %ne3A_152 = vector.broadcast %ne3A_151 : i32 to vector<16xi32>
          %ne3A_153 = arith.cmpi ne, %and3A_150, %ne3A_152 : vector<16xi32>
          %jit3A_154 = arith.constant 1.000000e+00 : f32
          %jit3A_155 = arith.constant 0.000000e+00 : f32
          %broadcast_in_dim3A_156 = vector.broadcast %jit3A_154 : f32 to vector<16xf32>
          %broadcast_in_dim3A_157 = vector.broadcast %jit3A_155 : f32 to vector<16xf32>
          %select_n3A_158 = arith.select %ne3A_153, %broadcast_in_dim3A_156, %broadcast_in_dim3A_157 : vector<16xi1>, vector<16xf32>
          %add3A_159 = arith.addf %add3A_147, %select_n3A_158 : vector<16xf32>
          %and3A_160 = arith.constant 15 : i32
          %and3A_161 = vector.broadcast %and3A_160 : i32 to vector<16xi32>
          %and3A_162 = arith.andi %gather3A_64, %and3A_161 : vector<16xi32>
          %ne3A_163 = arith.constant 15 : i32
          %ne3A_164 = vector.broadcast %ne3A_163 : i32 to vector<16xi32>
          %ne3A_165 = arith.cmpi ne, %and3A_162, %ne3A_164 : vector<16xi32>
          %jit3A_166 = arith.constant 1.000000e+00 : f32
          %jit3A_167 = arith.constant 0.000000e+00 : f32
          %broadcast_in_dim3A_168 = vector.broadcast %jit3A_166 : f32 to vector<16xf32>
          %broadcast_in_dim3A_169 = vector.broadcast %jit3A_167 : f32 to vector<16xf32>
          %select_n3A_170 = arith.select %ne3A_165, %broadcast_in_dim3A_168, %broadcast_in_dim3A_169 : vector<16xi1>, vector<16xf32>
          %add3A_171 = arith.addf %add3A_159, %select_n3A_170 : vector<16xf32>
          %and3A_172 = arith.constant 15 : i32
          %and3A_173 = vector.broadcast %and3A_172 : i32 to vector<16xi32>
          %and3A_174 = arith.andi %gather3A_68, %and3A_173 : vector<16xi32>
          %ne3A_175 = arith.constant 15 : i32
          %ne3A_176 = vector.broadcast %ne3A_175 : i32 to vector<16xi32>
          %ne3A_177 = arith.cmpi ne, %and3A_174, %ne3A_176 : vector<16xi32>
          %jit3A_178 = arith.constant 1.000000e+00 : f32
          %jit3A_179 = arith.constant 0.000000e+00 : f32
          %broadcast_in_dim3A_180 = vector.broadcast %jit3A_178 : f32 to vector<16xf32>
          %broadcast_in_dim3A_181 = vector.broadcast %jit3A_179 : f32 to vector<16xf32>
          %select_n3A_182 = arith.select %ne3A_177, %broadcast_in_dim3A_180, %broadcast_in_dim3A_181 : vector<16xi1>, vector<16xf32>
          %add3A_183 = arith.addf %add3A_171, %select_n3A_182 : vector<16xf32>
          %and3A_184 = arith.constant 15 : i32
          %and3A_185 = vector.broadcast %and3A_184 : i32 to vector<16xi32>
          %and3A_186 = arith.andi %gather3A_72, %and3A_185 : vector<16xi32>
          %ne3A_187 = arith.constant 15 : i32
          %ne3A_188 = vector.broadcast %ne3A_187 : i32 to vector<16xi32>
          %ne3A_189 = arith.cmpi ne, %and3A_186, %ne3A_188 : vector<16xi32>
          %jit3A_190 = arith.constant 1.000000e+00 : f32
          %jit3A_191 = arith.constant 0.000000e+00 : f32
          %broadcast_in_dim3A_192 = vector.broadcast %jit3A_190 : f32 to vector<16xf32>
          %broadcast_in_dim3A_193 = vector.broadcast %jit3A_191 : f32 to vector<16xf32>
          %select_n3A_194 = arith.select %ne3A_189, %broadcast_in_dim3A_192, %broadcast_in_dim3A_193 : vector<16xi1>, vector<16xf32>
          %add3A_195 = arith.addf %add3A_183, %select_n3A_194 : vector<16xf32>
          %and3A_196 = arith.constant 15 : i32
          %and3A_197 = vector.broadcast %and3A_196 : i32 to vector<16xi32>
          %and3A_198 = arith.andi %gather3A_76, %and3A_197 : vector<16xi32>
          %ne3A_199 = arith.constant 15 : i32
          %ne3A_200 = vector.broadcast %ne3A_199 : i32 to vector<16xi32>
          %ne3A_201 = arith.cmpi ne, %and3A_198, %ne3A_200 : vector<16xi32>
          %jit3A_202 = arith.constant 1.000000e+00 : f32
          %jit3A_203 = arith.constant 0.000000e+00 : f32
          %broadcast_in_dim3A_204 = vector.broadcast %jit3A_202 : f32 to vector<16xf32>
          %broadcast_in_dim3A_205 = vector.broadcast %jit3A_203 : f32 to vector<16xf32>
          %select_n3A_206 = arith.select %ne3A_201, %broadcast_in_dim3A_204, %broadcast_in_dim3A_205 : vector<16xi1>, vector<16xf32>
          %add3A_207 = arith.addf %add3A_195, %select_n3A_206 : vector<16xf32>
          %and3A_208 = arith.constant 15 : i32
          %and3A_209 = vector.broadcast %and3A_208 : i32 to vector<16xi32>
          %and3A_210 = arith.andi %gather3A_80, %and3A_209 : vector<16xi32>
          %ne3A_211 = arith.constant 15 : i32
          %ne3A_212 = vector.broadcast %ne3A_211 : i32 to vector<16xi32>
          %ne3A_213 = arith.cmpi ne, %and3A_210, %ne3A_212 : vector<16xi32>
          %jit3A_214 = arith.constant 1.000000e+00 : f32
          %jit3A_215 = arith.constant 0.000000e+00 : f32
          %broadcast_in_dim3A_216 = vector.broadcast %jit3A_214 : f32 to vector<16xf32>
          %broadcast_in_dim3A_217 = vector.broadcast %jit3A_215 : f32 to vector<16xf32>
          %select_n3A_218 = arith.select %ne3A_213, %broadcast_in_dim3A_216, %broadcast_in_dim3A_217 : vector<16xi1>, vector<16xf32>
          %add3A_219 = arith.addf %add3A_207, %select_n3A_218 : vector<16xf32>
          %and3A_220 = arith.constant 15 : i32
          %and3A_221 = vector.broadcast %and3A_220 : i32 to vector<16xi32>
          %and3A_222 = arith.andi %gather3A_84, %and3A_221 : vector<16xi32>
          %ne3A_223 = arith.constant 15 : i32
          %ne3A_224 = vector.broadcast %ne3A_223 : i32 to vector<16xi32>
          %ne3A_225 = arith.cmpi ne, %and3A_222, %ne3A_224 : vector<16xi32>
          %jit3A_226 = arith.constant 1.000000e+00 : f32
          %jit3A_227 = arith.constant 0.000000e+00 : f32
          %broadcast_in_dim3A_228 = vector.broadcast %jit3A_226 : f32 to vector<16xf32>
          %broadcast_in_dim3A_229 = vector.broadcast %jit3A_227 : f32 to vector<16xf32>
          %select_n3A_230 = arith.select %ne3A_225, %broadcast_in_dim3A_228, %broadcast_in_dim3A_229 : vector<16xi1>, vector<16xf32>
          %add3A_231 = arith.addf %add3A_219, %select_n3A_230 : vector<16xf32>
          %and3A_232 = arith.constant 15 : i32
          %and3A_233 = vector.broadcast %and3A_232 : i32 to vector<16xi32>
          %and3A_234 = arith.andi %gather3A_88, %and3A_233 : vector<16xi32>
          %ne3A_235 = arith.constant 15 : i32
          %ne3A_236 = vector.broadcast %ne3A_235 : i32 to vector<16xi32>
          %ne3A_237 = arith.cmpi ne, %and3A_234, %ne3A_236 : vector<16xi32>
          %jit3A_238 = arith.constant 1.000000e+00 : f32
          %jit3A_239 = arith.constant 0.000000e+00 : f32
          %broadcast_in_dim3A_240 = vector.broadcast %jit3A_238 : f32 to vector<16xf32>
          %broadcast_in_dim3A_241 = vector.broadcast %jit3A_239 : f32 to vector<16xf32>
          %select_n3A_242 = arith.select %ne3A_237, %broadcast_in_dim3A_240, %broadcast_in_dim3A_241 : vector<16xi1>, vector<16xf32>
          %add3A_243 = arith.addf %add3A_231, %select_n3A_242 : vector<16xf32>
          %and3A_244 = arith.constant 15 : i32
          %and3A_245 = vector.broadcast %and3A_244 : i32 to vector<16xi32>
          %and3A_246 = arith.andi %gather3A_92, %and3A_245 : vector<16xi32>
          %ne3A_247 = arith.constant 15 : i32
          %ne3A_248 = vector.broadcast %ne3A_247 : i32 to vector<16xi32>
          %ne3A_249 = arith.cmpi ne, %and3A_246, %ne3A_248 : vector<16xi32>
          %jit3A_250 = arith.constant 1.000000e+00 : f32
          %jit3A_251 = arith.constant 0.000000e+00 : f32
          %broadcast_in_dim3A_252 = vector.broadcast %jit3A_250 : f32 to vector<16xf32>
          %broadcast_in_dim3A_253 = vector.broadcast %jit3A_251 : f32 to vector<16xf32>
          %select_n3A_254 = arith.select %ne3A_249, %broadcast_in_dim3A_252, %broadcast_in_dim3A_253 : vector<16xi1>, vector<16xf32>
          %add3A_255 = arith.addf %add3A_243, %select_n3A_254 : vector<16xf32>
          %and3A_256 = arith.constant 15 : i32
          %and3A_257 = vector.broadcast %and3A_256 : i32 to vector<16xi32>
          %and3A_258 = arith.andi %gather3A_96, %and3A_257 : vector<16xi32>
          %ne3A_259 = arith.constant 15 : i32
          %ne3A_260 = vector.broadcast %ne3A_259 : i32 to vector<16xi32>
          %ne3A_261 = arith.cmpi ne, %and3A_258, %ne3A_260 : vector<16xi32>
          %jit3A_262 = arith.constant 1.000000e+00 : f32
          %jit3A_263 = arith.constant 0.000000e+00 : f32
          %broadcast_in_dim3A_264 = vector.broadcast %jit3A_262 : f32 to vector<16xf32>
          %broadcast_in_dim3A_265 = vector.broadcast %jit3A_263 : f32 to vector<16xf32>
          %select_n3A_266 = arith.select %ne3A_261, %broadcast_in_dim3A_264, %broadcast_in_dim3A_265 : vector<16xi1>, vector<16xf32>
          %add3A_267 = arith.addf %add3A_255, %select_n3A_266 : vector<16xf32>
          %add3A_268 = arith.constant 1.000000e-10 : f32
          %add3A_269 = vector.broadcast %add3A_268 : f32 to vector<16xf32>
          %add3A_270 = arith.addf %add3A_267, %add3A_269 : vector<16xf32>
          %div3A = arith.constant 1.000000e+00 : f32
          %div3A_271 = vector.broadcast %div3A : f32 to vector<16xf32>
          %div3A_272 = arith.divf %div3A_271, %add3A_270 : vector<16xf32>
          %shift_right_logical3A = arith.constant 4 : i32
          %shift_right_logical3A_273 = vector.broadcast %shift_right_logical3A : i32 to vector<16xi32>
          %shift_right_logical3A_274 = arith.shrui %gather3A, %shift_right_logical3A_273 : vector<16xi32>
          %and3A_275 = arith.constant 63 : i32
          %and3A_276 = vector.broadcast %and3A_275 : i32 to vector<16xi32>
          %and3A_277 = arith.andi %shift_right_logical3A_274, %and3A_276 : vector<16xi32>
          %and3A_278 = arith.constant 15 : i32
          %and3A_279 = vector.broadcast %and3A_278 : i32 to vector<16xi32>
          %and3A_280 = arith.andi %gather3A, %and3A_279 : vector<16xi32>
          %ne3A_281 = arith.constant 15 : i32
          %ne3A_282 = vector.broadcast %ne3A_281 : i32 to vector<16xi32>
          %ne3A_283 = arith.cmpi ne, %and3A_280, %ne3A_282 : vector<16xi32>
          %and3A_284 = arith.andi %lt3A_36, %ne3A_283 : vector<16xi1>
          tpu.vector_store_idx %arg5[%min3A_38, %and3A_277], %div3A_272 masked %and3A_284 {add = true} : memref<384x128xf32, #tpu.memory_space<vmem>>[vector<16xi32>, vector<16xi32>], vector<16xf32>, vector<16xi1>
          %add3A_285 = arith.constant 40 : i32
          %add3A_286 = vector.broadcast %add3A_285 : i32 to vector<16xi32>
          %add3A_287 = arith.addi %and3A_280, %add3A_286 : vector<16xi32>
          tpu.vector_store_idx %arg5[%min3A_38, %add3A_287], %div3A_272 masked %lt3A_36 {add = true} : memref<384x128xf32, #tpu.memory_space<vmem>>[vector<16xi32>, vector<16xi32>], vector<16xf32>, vector<16xi1>
          %shift_right_logical3A_288 = arith.constant 4 : i32
          %shift_right_logical3A_289 = vector.broadcast %shift_right_logical3A_288 : i32 to vector<16xi32>
          %shift_right_logical3A_290 = arith.shrui %gather3A_48, %shift_right_logical3A_289 : vector<16xi32>
          %and3A_291 = arith.constant 63 : i32
          %and3A_292 = vector.broadcast %and3A_291 : i32 to vector<16xi32>
          %and3A_293 = arith.andi %shift_right_logical3A_290, %and3A_292 : vector<16xi32>
          %and3A_294 = arith.constant 15 : i32
          %and3A_295 = vector.broadcast %and3A_294 : i32 to vector<16xi32>
          %and3A_296 = arith.andi %gather3A_48, %and3A_295 : vector<16xi32>
          %ne3A_297 = arith.constant 15 : i32
          %ne3A_298 = vector.broadcast %ne3A_297 : i32 to vector<16xi32>
          %ne3A_299 = arith.cmpi ne, %and3A_296, %ne3A_298 : vector<16xi32>
          %and3A_300 = arith.andi %lt3A_36, %ne3A_299 : vector<16xi1>
          tpu.vector_store_idx %arg5[%min3A_38, %and3A_293], %div3A_272 masked %and3A_300 {add = true} : memref<384x128xf32, #tpu.memory_space<vmem>>[vector<16xi32>, vector<16xi32>], vector<16xf32>, vector<16xi1>
          %add3A_301 = arith.constant 40 : i32
          %add3A_302 = vector.broadcast %add3A_301 : i32 to vector<16xi32>
          %add3A_303 = arith.addi %and3A_296, %add3A_302 : vector<16xi32>
          tpu.vector_store_idx %arg5[%min3A_38, %add3A_303], %div3A_272 masked %lt3A_36 {add = true} : memref<384x128xf32, #tpu.memory_space<vmem>>[vector<16xi32>, vector<16xi32>], vector<16xf32>, vector<16xi1>
          %shift_right_logical3A_304 = arith.constant 4 : i32
          %shift_right_logical3A_305 = vector.broadcast %shift_right_logical3A_304 : i32 to vector<16xi32>
          %shift_right_logical3A_306 = arith.shrui %gather3A_52, %shift_right_logical3A_305 : vector<16xi32>
          %and3A_307 = arith.constant 63 : i32
          %and3A_308 = vector.broadcast %and3A_307 : i32 to vector<16xi32>
          %and3A_309 = arith.andi %shift_right_logical3A_306, %and3A_308 : vector<16xi32>
          %and3A_310 = arith.constant 15 : i32
          %and3A_311 = vector.broadcast %and3A_310 : i32 to vector<16xi32>
          %and3A_312 = arith.andi %gather3A_52, %and3A_311 : vector<16xi32>
          %ne3A_313 = arith.constant 15 : i32
          %ne3A_314 = vector.broadcast %ne3A_313 : i32 to vector<16xi32>
          %ne3A_315 = arith.cmpi ne, %and3A_312, %ne3A_314 : vector<16xi32>
          %and3A_316 = arith.andi %lt3A_36, %ne3A_315 : vector<16xi1>
          tpu.vector_store_idx %arg5[%min3A_38, %and3A_309], %div3A_272 masked %and3A_316 {add = true} : memref<384x128xf32, #tpu.memory_space<vmem>>[vector<16xi32>, vector<16xi32>], vector<16xf32>, vector<16xi1>
          %add3A_317 = arith.constant 40 : i32
          %add3A_318 = vector.broadcast %add3A_317 : i32 to vector<16xi32>
          %add3A_319 = arith.addi %and3A_312, %add3A_318 : vector<16xi32>
          tpu.vector_store_idx %arg5[%min3A_38, %add3A_319], %div3A_272 masked %lt3A_36 {add = true} : memref<384x128xf32, #tpu.memory_space<vmem>>[vector<16xi32>, vector<16xi32>], vector<16xf32>, vector<16xi1>
          %shift_right_logical3A_320 = arith.constant 4 : i32
          %shift_right_logical3A_321 = vector.broadcast %shift_right_logical3A_320 : i32 to vector<16xi32>
          %shift_right_logical3A_322 = arith.shrui %gather3A_56, %shift_right_logical3A_321 : vector<16xi32>
          %and3A_323 = arith.constant 63 : i32
          %and3A_324 = vector.broadcast %and3A_323 : i32 to vector<16xi32>
          %and3A_325 = arith.andi %shift_right_logical3A_322, %and3A_324 : vector<16xi32>
          %and3A_326 = arith.constant 15 : i32
          %and3A_327 = vector.broadcast %and3A_326 : i32 to vector<16xi32>
          %and3A_328 = arith.andi %gather3A_56, %and3A_327 : vector<16xi32>
          %ne3A_329 = arith.constant 15 : i32
          %ne3A_330 = vector.broadcast %ne3A_329 : i32 to vector<16xi32>
          %ne3A_331 = arith.cmpi ne, %and3A_328, %ne3A_330 : vector<16xi32>
          %and3A_332 = arith.andi %lt3A_36, %ne3A_331 : vector<16xi1>
          tpu.vector_store_idx %arg5[%min3A_38, %and3A_325], %div3A_272 masked %and3A_332 {add = true} : memref<384x128xf32, #tpu.memory_space<vmem>>[vector<16xi32>, vector<16xi32>], vector<16xf32>, vector<16xi1>
          %add3A_333 = arith.constant 40 : i32
          %add3A_334 = vector.broadcast %add3A_333 : i32 to vector<16xi32>
          %add3A_335 = arith.addi %and3A_328, %add3A_334 : vector<16xi32>
          tpu.vector_store_idx %arg5[%min3A_38, %add3A_335], %div3A_272 masked %lt3A_36 {add = true} : memref<384x128xf32, #tpu.memory_space<vmem>>[vector<16xi32>, vector<16xi32>], vector<16xf32>, vector<16xi1>
          %shift_right_logical3A_336 = arith.constant 4 : i32
          %shift_right_logical3A_337 = vector.broadcast %shift_right_logical3A_336 : i32 to vector<16xi32>
          %shift_right_logical3A_338 = arith.shrui %gather3A_60, %shift_right_logical3A_337 : vector<16xi32>
          %and3A_339 = arith.constant 63 : i32
          %and3A_340 = vector.broadcast %and3A_339 : i32 to vector<16xi32>
          %and3A_341 = arith.andi %shift_right_logical3A_338, %and3A_340 : vector<16xi32>
          %and3A_342 = arith.constant 15 : i32
          %and3A_343 = vector.broadcast %and3A_342 : i32 to vector<16xi32>
          %and3A_344 = arith.andi %gather3A_60, %and3A_343 : vector<16xi32>
          %ne3A_345 = arith.constant 15 : i32
          %ne3A_346 = vector.broadcast %ne3A_345 : i32 to vector<16xi32>
          %ne3A_347 = arith.cmpi ne, %and3A_344, %ne3A_346 : vector<16xi32>
          %and3A_348 = arith.andi %lt3A_36, %ne3A_347 : vector<16xi1>
          tpu.vector_store_idx %arg5[%min3A_38, %and3A_341], %div3A_272 masked %and3A_348 {add = true} : memref<384x128xf32, #tpu.memory_space<vmem>>[vector<16xi32>, vector<16xi32>], vector<16xf32>, vector<16xi1>
          %add3A_349 = arith.constant 40 : i32
          %add3A_350 = vector.broadcast %add3A_349 : i32 to vector<16xi32>
          %add3A_351 = arith.addi %and3A_344, %add3A_350 : vector<16xi32>
          tpu.vector_store_idx %arg5[%min3A_38, %add3A_351], %div3A_272 masked %lt3A_36 {add = true} : memref<384x128xf32, #tpu.memory_space<vmem>>[vector<16xi32>, vector<16xi32>], vector<16xf32>, vector<16xi1>
          %shift_right_logical3A_352 = arith.constant 4 : i32
          %shift_right_logical3A_353 = vector.broadcast %shift_right_logical3A_352 : i32 to vector<16xi32>
          %shift_right_logical3A_354 = arith.shrui %gather3A_64, %shift_right_logical3A_353 : vector<16xi32>
          %and3A_355 = arith.constant 63 : i32
          %and3A_356 = vector.broadcast %and3A_355 : i32 to vector<16xi32>
          %and3A_357 = arith.andi %shift_right_logical3A_354, %and3A_356 : vector<16xi32>
          %and3A_358 = arith.constant 15 : i32
          %and3A_359 = vector.broadcast %and3A_358 : i32 to vector<16xi32>
          %and3A_360 = arith.andi %gather3A_64, %and3A_359 : vector<16xi32>
          %ne3A_361 = arith.constant 15 : i32
          %ne3A_362 = vector.broadcast %ne3A_361 : i32 to vector<16xi32>
          %ne3A_363 = arith.cmpi ne, %and3A_360, %ne3A_362 : vector<16xi32>
          %and3A_364 = arith.andi %lt3A_36, %ne3A_363 : vector<16xi1>
          tpu.vector_store_idx %arg5[%min3A_38, %and3A_357], %div3A_272 masked %and3A_364 {add = true} : memref<384x128xf32, #tpu.memory_space<vmem>>[vector<16xi32>, vector<16xi32>], vector<16xf32>, vector<16xi1>
          %add3A_365 = arith.constant 40 : i32
          %add3A_366 = vector.broadcast %add3A_365 : i32 to vector<16xi32>
          %add3A_367 = arith.addi %and3A_360, %add3A_366 : vector<16xi32>
          tpu.vector_store_idx %arg5[%min3A_38, %add3A_367], %div3A_272 masked %lt3A_36 {add = true} : memref<384x128xf32, #tpu.memory_space<vmem>>[vector<16xi32>, vector<16xi32>], vector<16xf32>, vector<16xi1>
          %shift_right_logical3A_368 = arith.constant 4 : i32
          %shift_right_logical3A_369 = vector.broadcast %shift_right_logical3A_368 : i32 to vector<16xi32>
          %shift_right_logical3A_370 = arith.shrui %gather3A_68, %shift_right_logical3A_369 : vector<16xi32>
          %and3A_371 = arith.constant 63 : i32
          %and3A_372 = vector.broadcast %and3A_371 : i32 to vector<16xi32>
          %and3A_373 = arith.andi %shift_right_logical3A_370, %and3A_372 : vector<16xi32>
          %and3A_374 = arith.constant 15 : i32
          %and3A_375 = vector.broadcast %and3A_374 : i32 to vector<16xi32>
          %and3A_376 = arith.andi %gather3A_68, %and3A_375 : vector<16xi32>
          %ne3A_377 = arith.constant 15 : i32
          %ne3A_378 = vector.broadcast %ne3A_377 : i32 to vector<16xi32>
          %ne3A_379 = arith.cmpi ne, %and3A_376, %ne3A_378 : vector<16xi32>
          %and3A_380 = arith.andi %lt3A_36, %ne3A_379 : vector<16xi1>
          tpu.vector_store_idx %arg5[%min3A_38, %and3A_373], %div3A_272 masked %and3A_380 {add = true} : memref<384x128xf32, #tpu.memory_space<vmem>>[vector<16xi32>, vector<16xi32>], vector<16xf32>, vector<16xi1>
          %add3A_381 = arith.constant 40 : i32
          %add3A_382 = vector.broadcast %add3A_381 : i32 to vector<16xi32>
          %add3A_383 = arith.addi %and3A_376, %add3A_382 : vector<16xi32>
          tpu.vector_store_idx %arg5[%min3A_38, %add3A_383], %div3A_272 masked %lt3A_36 {add = true} : memref<384x128xf32, #tpu.memory_space<vmem>>[vector<16xi32>, vector<16xi32>], vector<16xf32>, vector<16xi1>
          %shift_right_logical3A_384 = arith.constant 4 : i32
          %shift_right_logical3A_385 = vector.broadcast %shift_right_logical3A_384 : i32 to vector<16xi32>
          %shift_right_logical3A_386 = arith.shrui %gather3A_72, %shift_right_logical3A_385 : vector<16xi32>
          %and3A_387 = arith.constant 63 : i32
          %and3A_388 = vector.broadcast %and3A_387 : i32 to vector<16xi32>
          %and3A_389 = arith.andi %shift_right_logical3A_386, %and3A_388 : vector<16xi32>
          %and3A_390 = arith.constant 15 : i32
          %and3A_391 = vector.broadcast %and3A_390 : i32 to vector<16xi32>
          %and3A_392 = arith.andi %gather3A_72, %and3A_391 : vector<16xi32>
          %ne3A_393 = arith.constant 15 : i32
          %ne3A_394 = vector.broadcast %ne3A_393 : i32 to vector<16xi32>
          %ne3A_395 = arith.cmpi ne, %and3A_392, %ne3A_394 : vector<16xi32>
          %and3A_396 = arith.andi %lt3A_36, %ne3A_395 : vector<16xi1>
          tpu.vector_store_idx %arg5[%min3A_38, %and3A_389], %div3A_272 masked %and3A_396 {add = true} : memref<384x128xf32, #tpu.memory_space<vmem>>[vector<16xi32>, vector<16xi32>], vector<16xf32>, vector<16xi1>
          %add3A_397 = arith.constant 40 : i32
          %add3A_398 = vector.broadcast %add3A_397 : i32 to vector<16xi32>
          %add3A_399 = arith.addi %and3A_392, %add3A_398 : vector<16xi32>
          tpu.vector_store_idx %arg5[%min3A_38, %add3A_399], %div3A_272 masked %lt3A_36 {add = true} : memref<384x128xf32, #tpu.memory_space<vmem>>[vector<16xi32>, vector<16xi32>], vector<16xf32>, vector<16xi1>
          %shift_right_logical3A_400 = arith.constant 4 : i32
          %shift_right_logical3A_401 = vector.broadcast %shift_right_logical3A_400 : i32 to vector<16xi32>
          %shift_right_logical3A_402 = arith.shrui %gather3A_76, %shift_right_logical3A_401 : vector<16xi32>
          %and3A_403 = arith.constant 63 : i32
          %and3A_404 = vector.broadcast %and3A_403 : i32 to vector<16xi32>
          %and3A_405 = arith.andi %shift_right_logical3A_402, %and3A_404 : vector<16xi32>
          %and3A_406 = arith.constant 15 : i32
          %and3A_407 = vector.broadcast %and3A_406 : i32 to vector<16xi32>
          %and3A_408 = arith.andi %gather3A_76, %and3A_407 : vector<16xi32>
          %ne3A_409 = arith.constant 15 : i32
          %ne3A_410 = vector.broadcast %ne3A_409 : i32 to vector<16xi32>
          %ne3A_411 = arith.cmpi ne, %and3A_408, %ne3A_410 : vector<16xi32>
          %and3A_412 = arith.andi %lt3A_36, %ne3A_411 : vector<16xi1>
          tpu.vector_store_idx %arg5[%min3A_38, %and3A_405], %div3A_272 masked %and3A_412 {add = true} : memref<384x128xf32, #tpu.memory_space<vmem>>[vector<16xi32>, vector<16xi32>], vector<16xf32>, vector<16xi1>
          %add3A_413 = arith.constant 40 : i32
          %add3A_414 = vector.broadcast %add3A_413 : i32 to vector<16xi32>
          %add3A_415 = arith.addi %and3A_408, %add3A_414 : vector<16xi32>
          tpu.vector_store_idx %arg5[%min3A_38, %add3A_415], %div3A_272 masked %lt3A_36 {add = true} : memref<384x128xf32, #tpu.memory_space<vmem>>[vector<16xi32>, vector<16xi32>], vector<16xf32>, vector<16xi1>
          %shift_right_logical3A_416 = arith.constant 4 : i32
          %shift_right_logical3A_417 = vector.broadcast %shift_right_logical3A_416 : i32 to vector<16xi32>
          %shift_right_logical3A_418 = arith.shrui %gather3A_80, %shift_right_logical3A_417 : vector<16xi32>
          %and3A_419 = arith.constant 63 : i32
          %and3A_420 = vector.broadcast %and3A_419 : i32 to vector<16xi32>
          %and3A_421 = arith.andi %shift_right_logical3A_418, %and3A_420 : vector<16xi32>
          %and3A_422 = arith.constant 15 : i32
          %and3A_423 = vector.broadcast %and3A_422 : i32 to vector<16xi32>
          %and3A_424 = arith.andi %gather3A_80, %and3A_423 : vector<16xi32>
          %ne3A_425 = arith.constant 15 : i32
          %ne3A_426 = vector.broadcast %ne3A_425 : i32 to vector<16xi32>
          %ne3A_427 = arith.cmpi ne, %and3A_424, %ne3A_426 : vector<16xi32>
          %and3A_428 = arith.andi %lt3A_36, %ne3A_427 : vector<16xi1>
          tpu.vector_store_idx %arg5[%min3A_38, %and3A_421], %div3A_272 masked %and3A_428 {add = true} : memref<384x128xf32, #tpu.memory_space<vmem>>[vector<16xi32>, vector<16xi32>], vector<16xf32>, vector<16xi1>
          %add3A_429 = arith.constant 40 : i32
          %add3A_430 = vector.broadcast %add3A_429 : i32 to vector<16xi32>
          %add3A_431 = arith.addi %and3A_424, %add3A_430 : vector<16xi32>
          tpu.vector_store_idx %arg5[%min3A_38, %add3A_431], %div3A_272 masked %lt3A_36 {add = true} : memref<384x128xf32, #tpu.memory_space<vmem>>[vector<16xi32>, vector<16xi32>], vector<16xf32>, vector<16xi1>
          %shift_right_logical3A_432 = arith.constant 4 : i32
          %shift_right_logical3A_433 = vector.broadcast %shift_right_logical3A_432 : i32 to vector<16xi32>
          %shift_right_logical3A_434 = arith.shrui %gather3A_84, %shift_right_logical3A_433 : vector<16xi32>
          %and3A_435 = arith.constant 63 : i32
          %and3A_436 = vector.broadcast %and3A_435 : i32 to vector<16xi32>
          %and3A_437 = arith.andi %shift_right_logical3A_434, %and3A_436 : vector<16xi32>
          %and3A_438 = arith.constant 15 : i32
          %and3A_439 = vector.broadcast %and3A_438 : i32 to vector<16xi32>
          %and3A_440 = arith.andi %gather3A_84, %and3A_439 : vector<16xi32>
          %ne3A_441 = arith.constant 15 : i32
          %ne3A_442 = vector.broadcast %ne3A_441 : i32 to vector<16xi32>
          %ne3A_443 = arith.cmpi ne, %and3A_440, %ne3A_442 : vector<16xi32>
          %and3A_444 = arith.andi %lt3A_36, %ne3A_443 : vector<16xi1>
          tpu.vector_store_idx %arg5[%min3A_38, %and3A_437], %div3A_272 masked %and3A_444 {add = true} : memref<384x128xf32, #tpu.memory_space<vmem>>[vector<16xi32>, vector<16xi32>], vector<16xf32>, vector<16xi1>
          %add3A_445 = arith.constant 40 : i32
          %add3A_446 = vector.broadcast %add3A_445 : i32 to vector<16xi32>
          %add3A_447 = arith.addi %and3A_440, %add3A_446 : vector<16xi32>
          tpu.vector_store_idx %arg5[%min3A_38, %add3A_447], %div3A_272 masked %lt3A_36 {add = true} : memref<384x128xf32, #tpu.memory_space<vmem>>[vector<16xi32>, vector<16xi32>], vector<16xf32>, vector<16xi1>
          %shift_right_logical3A_448 = arith.constant 4 : i32
          %shift_right_logical3A_449 = vector.broadcast %shift_right_logical3A_448 : i32 to vector<16xi32>
          %shift_right_logical3A_450 = arith.shrui %gather3A_88, %shift_right_logical3A_449 : vector<16xi32>
          %and3A_451 = arith.constant 63 : i32
          %and3A_452 = vector.broadcast %and3A_451 : i32 to vector<16xi32>
          %and3A_453 = arith.andi %shift_right_logical3A_450, %and3A_452 : vector<16xi32>
          %and3A_454 = arith.constant 15 : i32
          %and3A_455 = vector.broadcast %and3A_454 : i32 to vector<16xi32>
          %and3A_456 = arith.andi %gather3A_88, %and3A_455 : vector<16xi32>
          %ne3A_457 = arith.constant 15 : i32
          %ne3A_458 = vector.broadcast %ne3A_457 : i32 to vector<16xi32>
          %ne3A_459 = arith.cmpi ne, %and3A_456, %ne3A_458 : vector<16xi32>
          %and3A_460 = arith.andi %lt3A_36, %ne3A_459 : vector<16xi1>
          tpu.vector_store_idx %arg5[%min3A_38, %and3A_453], %div3A_272 masked %and3A_460 {add = true} : memref<384x128xf32, #tpu.memory_space<vmem>>[vector<16xi32>, vector<16xi32>], vector<16xf32>, vector<16xi1>
          %add3A_461 = arith.constant 40 : i32
          %add3A_462 = vector.broadcast %add3A_461 : i32 to vector<16xi32>
          %add3A_463 = arith.addi %and3A_456, %add3A_462 : vector<16xi32>
          tpu.vector_store_idx %arg5[%min3A_38, %add3A_463], %div3A_272 masked %lt3A_36 {add = true} : memref<384x128xf32, #tpu.memory_space<vmem>>[vector<16xi32>, vector<16xi32>], vector<16xf32>, vector<16xi1>
          %shift_right_logical3A_464 = arith.constant 4 : i32
          %shift_right_logical3A_465 = vector.broadcast %shift_right_logical3A_464 : i32 to vector<16xi32>
          %shift_right_logical3A_466 = arith.shrui %gather3A_92, %shift_right_logical3A_465 : vector<16xi32>
          %and3A_467 = arith.constant 63 : i32
          %and3A_468 = vector.broadcast %and3A_467 : i32 to vector<16xi32>
          %and3A_469 = arith.andi %shift_right_logical3A_466, %and3A_468 : vector<16xi32>
          %and3A_470 = arith.constant 15 : i32
          %and3A_471 = vector.broadcast %and3A_470 : i32 to vector<16xi32>
          %and3A_472 = arith.andi %gather3A_92, %and3A_471 : vector<16xi32>
          %ne3A_473 = arith.constant 15 : i32
          %ne3A_474 = vector.broadcast %ne3A_473 : i32 to vector<16xi32>
          %ne3A_475 = arith.cmpi ne, %and3A_472, %ne3A_474 : vector<16xi32>
          %and3A_476 = arith.andi %lt3A_36, %ne3A_475 : vector<16xi1>
          tpu.vector_store_idx %arg5[%min3A_38, %and3A_469], %div3A_272 masked %and3A_476 {add = true} : memref<384x128xf32, #tpu.memory_space<vmem>>[vector<16xi32>, vector<16xi32>], vector<16xf32>, vector<16xi1>
          %add3A_477 = arith.constant 40 : i32
          %add3A_478 = vector.broadcast %add3A_477 : i32 to vector<16xi32>
          %add3A_479 = arith.addi %and3A_472, %add3A_478 : vector<16xi32>
          tpu.vector_store_idx %arg5[%min3A_38, %add3A_479], %div3A_272 masked %lt3A_36 {add = true} : memref<384x128xf32, #tpu.memory_space<vmem>>[vector<16xi32>, vector<16xi32>], vector<16xf32>, vector<16xi1>
          %shift_right_logical3A_480 = arith.constant 4 : i32
          %shift_right_logical3A_481 = vector.broadcast %shift_right_logical3A_480 : i32 to vector<16xi32>
          %shift_right_logical3A_482 = arith.shrui %gather3A_96, %shift_right_logical3A_481 : vector<16xi32>
          %and3A_483 = arith.constant 63 : i32
          %and3A_484 = vector.broadcast %and3A_483 : i32 to vector<16xi32>
          %and3A_485 = arith.andi %shift_right_logical3A_482, %and3A_484 : vector<16xi32>
          %and3A_486 = arith.constant 15 : i32
          %and3A_487 = vector.broadcast %and3A_486 : i32 to vector<16xi32>
          %and3A_488 = arith.andi %gather3A_96, %and3A_487 : vector<16xi32>
          %ne3A_489 = arith.constant 15 : i32
          %ne3A_490 = vector.broadcast %ne3A_489 : i32 to vector<16xi32>
          %ne3A_491 = arith.cmpi ne, %and3A_488, %ne3A_490 : vector<16xi32>
          %and3A_492 = arith.andi %lt3A_36, %ne3A_491 : vector<16xi1>
          tpu.vector_store_idx %arg5[%min3A_38, %and3A_485], %div3A_272 masked %and3A_492 {add = true} : memref<384x128xf32, #tpu.memory_space<vmem>>[vector<16xi32>, vector<16xi32>], vector<16xf32>, vector<16xi1>
          %add3A_493 = arith.constant 40 : i32
          %add3A_494 = vector.broadcast %add3A_493 : i32 to vector<16xi32>
          %add3A_495 = arith.addi %and3A_488, %add3A_494 : vector<16xi32>
          tpu.vector_store_idx %arg5[%min3A_38, %add3A_495], %div3A_272 masked %lt3A_36 {add = true} : memref<384x128xf32, #tpu.memory_space<vmem>>[vector<16xi32>, vector<16xi32>], vector<16xf32>, vector<16xi1>
          %add3A_496 = arith.constant 56 : i32
          %add3A_497 = vector.broadcast %add3A_496 : i32 to vector<16xi32>
          %add3A_498 = arith.addi %and3A_102, %add3A_497 : vector<16xi32>
          tpu.vector_store_idx %arg5[%min3A_38, %add3A_498], %broadcast_in_dim3A_1 masked %lt3A_36 {add = true} : memref<384x128xf32, #tpu.memory_space<vmem>>[vector<16xi32>, vector<16xi32>], vector<16xf32>, vector<16xi1>
        }
        %scan3A_28 = arith.constant 24 : i32
        "tpu.region"() ({
          %run_scoped3A = tpu.sem_alloc : memref<!tpu.dma_semaphore, #tpu.memory_space<semaphore_mem>>
          %dma_start3A = arith.constant 0 : i32
          %dma_start3A_29 = tpu.memref_slice %arg3[%multiple_of3A, %dma_start3A] : memref<500352x128xf32, #tpu.memory_space<hbm>> -> memref<384x128xf32, #tpu.memory_space<hbm>>
          %dma_start3A_30 = arith.constant 0 : i32
          %dma_start3A_31 = tpu.memref_slice %arg3[%multiple_of3A, %dma_start3A_30] : memref<500352x128xf32, #tpu.memory_space<hbm>> -> memref<384x128xf32, #tpu.memory_space<hbm>>
          tpu.enqueue_dma source(%arg5 : memref<384x128xf32, #tpu.memory_space<vmem>>) target(%dma_start3A_31 : memref<384x128xf32, #tpu.memory_space<hbm>>) target_semaphore(%run_scoped3A : memref<!tpu.dma_semaphore, #tpu.memory_space<semaphore_mem>>)
          %dma_wait3A = arith.constant 0 : i32
          %dma_wait3A_32 = tpu.memref_slice %arg3[%multiple_of3A, %dma_wait3A] : memref<500352x128xf32, #tpu.memory_space<hbm>> -> memref<384x128xf32, #tpu.memory_space<hbm>>
          %dma_wait3A_33 = arith.constant 0 : i32
          %dma_wait3A_34 = tpu.memref_slice %arg3[%multiple_of3A, %dma_wait3A_33] : memref<500352x128xf32, #tpu.memory_space<hbm>> -> memref<384x128xf32, #tpu.memory_space<hbm>>
          tpu.wait_dma2 semaphore(%run_scoped3A : memref<!tpu.dma_semaphore, #tpu.memory_space<semaphore_mem>>) src(%arg5 : memref<384x128xf32, #tpu.memory_space<vmem>>) dst(%dma_wait3A_34 : memref<384x128xf32, #tpu.memory_space<hbm>>)
          tpu.yield
        }) : () -> ()
      } else {
      }
    }
    %scan3A_8 = arith.constant 41 : i32
    return
  }
}

module attributes {stable_mosaic.version = 14 : i64} {
  func.func @_tc_body(%arg0: i32, %arg1: memref<4096x128xf32, #tpu.memory_space<vmem>>, %arg2: memref<4096x1xi32, #tpu.memory_space<vmem>>, %arg3: memref<128x128xf32, #tpu.memory_space<vmem>>, %arg4: memref<256x64xf32, #tpu.memory_space<vmem>>, %arg5: memref<4096x128xf32, #tpu.memory_space<vmem>>) attributes {dimension_semantics = [#tpu.dimension_semantics<arbitrary>], iteration_bounds = array<i64: 123>, scalar_prefetch = 0 : i64, scratch_operands = 0 : i64, tpu.core_type = #tpu.core_type<tc>, window_params = [{transform_indices = @transform_0, window_bounds = array<i64: 4096, 128>}, {transform_indices = @transform_1, window_bounds = array<i64: 4096, 1>}, {pipeline_mode = #tpu.pipeline_mode<synchronous>, transform_indices = @transform_2, window_bounds = array<i64: 128, 128>}, {pipeline_mode = #tpu.pipeline_mode<synchronous>, transform_indices = @transform_3, window_bounds = array<i64: 256, 64>}, {transform_indices = @transform_4, window_bounds = array<i64: 4096, 128>}]} {
    %get3A = arith.constant 0 : index
    %get3A_0 = arith.constant 0 : index
    %get3A_1 = vector.load %arg1[%get3A, %get3A_0] : memref<4096x128xf32, #tpu.memory_space<vmem>>, vector<4096x128xf32>
    %get3A_2 = arith.constant 0 : index
    %get3A_3 = arith.constant 0 : index
    %get3A_4 = vector.load %arg3[%get3A_2, %get3A_3] : memref<128x128xf32, #tpu.memory_space<vmem>>, vector<128x128xf32>
    %dot_general3A = arith.constant dense<0.000000e+00> : vector<4096x128xf32>
    %dot_general3A_5 = tpu.matmul %get3A_1, %get3A_4, %dot_general3A {dimension_numbers = #tpu.dot_dimension_numbers<[1], [0], [0], [1], [0, 0, 1, 1], [], []>, precision = #tpu.contract_precision<fp32>, transpose_lhs_hint = false} : vector<4096x128xf32>, vector<128x128xf32>, vector<4096x128xf32> -> vector<4096x128xf32>
    %get3A_6 = arith.constant 0 : index
    %get3A_7 = arith.constant 0 : index
    %get3A_8 = vector.load %arg2[%get3A_6, %get3A_7] : memref<4096x1xi32, #tpu.memory_space<vmem>>, vector<4096x1xi32>
    %convert_element_type3A = arith.sitofp %get3A_8 : vector<4096x1xi32> to vector<4096x1xf32>
    %broadcast_in_dim3A = arith.constant 1.000000e+00 : f32
    %broadcast_in_dim3A_9 = vector.broadcast %broadcast_in_dim3A : f32 to vector<1x256xf32>
    %dot_general3A_10 = arith.constant dense<0.000000e+00> : vector<4096x256xf32>
    %dot_general3A_11 = tpu.matmul %convert_element_type3A, %broadcast_in_dim3A_9, %dot_general3A_10 {dimension_numbers = #tpu.dot_dimension_numbers<[1], [0], [0], [1], [0, 0, 1, 1], [], []>, transpose_lhs_hint = false} : vector<4096x1xf32>, vector<1x256xf32>, vector<4096x256xf32> -> vector<4096x256xf32>
    %iota3A = tpu.iota {dimensions = array<i32: 1>} : vector<1x256xi32>
    %convert_element_type3A_12 = arith.sitofp %iota3A : vector<1x256xi32> to vector<1x256xf32>
    %eq3A = vector.broadcast %convert_element_type3A_12 : vector<1x256xf32> to vector<4096x256xf32>
    %eq3A_13 = arith.cmpf oeq, %dot_general3A_11, %eq3A : vector<4096x256xf32>
    %convert_element_type3A_14 = arith.extui %eq3A_13 : vector<4096x256xi1> to vector<4096x256xi32>
    %convert_element_type3A_15 = arith.sitofp %convert_element_type3A_14 : vector<4096x256xi32> to vector<4096x256xf32>
    %get3A_16 = arith.constant 0 : index
    %get3A_17 = arith.constant 0 : index
    %get3A_18 = vector.load %arg4[%get3A_16, %get3A_17] : memref<256x64xf32, #tpu.memory_space<vmem>>, vector<256x64xf32>
    %dot_general3A_19 = arith.constant dense<0.000000e+00> : vector<4096x64xf32>
    %dot_general3A_20 = tpu.matmul %convert_element_type3A_15, %get3A_18, %dot_general3A_19 {dimension_numbers = #tpu.dot_dimension_numbers<[1], [0], [0], [1], [0, 0, 1, 1], [], []>, precision = #tpu.contract_precision<fp32>, transpose_lhs_hint = false} : vector<4096x256xf32>, vector<256x64xf32>, vector<4096x64xf32> -> vector<4096x64xf32>
    %slice3A = vector.extract_strided_slice %dot_general3A_5 {offsets = [0, 0], sizes = [4096, 64], strides = [1, 1]} : vector<4096x128xf32> to vector<4096x64xf32>
    %add3A = arith.addf %slice3A, %dot_general3A_20 : vector<4096x64xf32>
    %swap3A = arith.constant 0 : index
    %swap3A_21 = arith.constant 0 : index
    %swap3A_22 = vector.load %arg5[%swap3A, %swap3A_21] : memref<4096x128xf32, #tpu.memory_space<vmem>>, vector<4096x64xf32>
    tpu.vector_store %arg5[%swap3A, %swap3A_21], %add3A {strides = array<i32>} : memref<4096x128xf32, #tpu.memory_space<vmem>>, vector<4096x64xf32>,
    %slice3A_23 = vector.extract_strided_slice %dot_general3A_5 {offsets = [0, 64], sizes = [4096, 64], strides = [1, 1]} : vector<4096x128xf32> to vector<4096x64xf32>
    %swap3A_24 = arith.constant 0 : index
    %swap3A_25 = arith.constant 64 : index
    %swap3A_26 = vector.load %arg5[%swap3A_24, %swap3A_25] : memref<4096x128xf32, #tpu.memory_space<vmem>>, vector<4096x64xf32>
    tpu.vector_store %arg5[%swap3A_24, %swap3A_25], %slice3A_23 {strides = array<i32>} : memref<4096x128xf32, #tpu.memory_space<vmem>>, vector<4096x64xf32>,
    return
  }
  func.func @transform_0(%arg0: i32) -> (i32, i32) {
    %c0_i32 = arith.constant 0 : i32
    %c0_i32_0 = arith.constant 0 : i32
    return %arg0, %c0_i32 : i32, i32
  }
  func.func @transform_1(%arg0: i32) -> (i32, i32) {
    %c0_i32 = arith.constant 0 : i32
    %c0_i32_0 = arith.constant 0 : i32
    return %arg0, %c0_i32 : i32, i32
  }
  func.func @transform_2(%arg0: i32) -> (i32, i32) {
    %c0_i32 = arith.constant 0 : i32
    %c0_i32_0 = arith.constant 0 : i32
    %c0_i32_1 = arith.constant 0 : i32
    return %c0_i32, %c0_i32_0 : i32, i32
  }
  func.func @transform_3(%arg0: i32) -> (i32, i32) {
    %c0_i32 = arith.constant 0 : i32
    %c0_i32_0 = arith.constant 0 : i32
    %c0_i32_1 = arith.constant 0 : i32
    return %c0_i32, %c0_i32_0 : i32, i32
  }
  func.func @transform_4(%arg0: i32) -> (i32, i32) {
    %c0_i32 = arith.constant 0 : i32
    %c0_i32_0 = arith.constant 0 : i32
    return %arg0, %c0_i32 : i32, i32
  }
}

</mosaic_0001>

<sc_bundles>
// kernel: kernel.4.cloned.1.call-start
scs
__scs_entry_jumppad:
0x0: {  	(pc) =	sbr.rel $0x88, $3  }
0x1: {  	(tag) =	ssettag $0x0;
	lr =	simm.s32 $0x1  }
0x2: {  	[smem:$0x3F9A] =	sst lr;
	_ =	strace $0xD0000000  }
0x3: {  	_ = 	snop  }
0x4: {  	_ = 	snop  }
0x5: {  	_ = 	snop  }
0x6: {  	_ = 	snop  }
0x7: {  	_ = 	snop  }
__scs_overlays_trampoline_lowered:
0x8: {  	[smem:$0x3FA9] =	sst s0  }
0x9: {  	[smem:$0x3FAA] =	sst s1  }
0xa: {  	[smem:$0x3FAB] =	sst s2  }
0xb: {  	[smem:$0x3FAC] =	sst s3  }
0xc: {  	[smem:$0x3FAD] =	sst s4  }
0xd: {  	[smem:$0x3FAE] =	sst s5  }
0xe: {  	[smem:$0x3FAF] =	sst s6  }
0xf: {  	[smem:$0x3FB0] =	sst s7  }
0x10: {  	[smem:$0x3FB1] =	sst s8  }
0x11: {  	[smem:$0x3FB2] =	sst s9;
	s0 =	simm.s32 @!p0 $0x0  }
0x12: {  	s1 =	sld [smem:$0x3F98];
	s0 =	simm.s32 @p0 $0x1  }
0x13: {  	[smem:$0x3FB3] =	sst s0;
	s0 =	simm.s32 @!p1 $0x0  }
0x14: {  	s2 =	sld [smem:$0x3F97];
	s0 =	simm.s32 @p1 $0x1  }
0x15: {  	[smem:$0x3FB4] =	sst s0;
	s0 =	simm.s32 @!p2 $0x0  }
0x16: {  	s3 =	sld [smem:$0x3FDB];
	s0 =	simm.s32 @p2 $0x1  }
0x17: {  	s4 =	simm.s32 $0x1BF5;
	[smem:$0x3FB6] =	sst s0  }
0x18: {  	s0 =	sld [smem:$0x3F99];
	_ =	swait.ge [sflag:s4], $0x0  }
0x19: {  	s7 =	sld [smem:$0x3F9A]  }
0x1a: {  	s8 =	sadd.s32 $0xFFFFE003, lr  }
0x1b: {  	s9 =	sadd.s32 $0xFFFFFEF7, lr;
	s5 =	simm.s32 $0xFFFFFFFF;
	p2 =	slt.u32 s8, $0xFFFFF086  }
0x1c: {  	p1 =	slt.u32 s9, $0xF7A;
	s5 =	simm.s32 @!p2 $0x0  }
0x1d: {  	s5 =	simm.s32 @p1 $0x1;
	p0 =	seq.s32 s7, s2  }
0x1e: {  	s7 =	smul.u32 @!p0 $0xF7A, s2;
	p2 =	seq.s32 @!p0 s5, $0x0  }
0x1f: {  	s9 =	smul.u32 $0xF7A, s1;
	s8 =	simm.s32 @!p0 $0x1BF5;
	p2 =	por !p2, p0  }
0x20: {  	[sflag:s8] =	ssyncset.s32 @!p0 $0xFFFFF086;
	s6 =	sadd.s32 @!p0 s3, s7;
	s7 =	simm.s32 @!p0 $0x108  }
0x21: {  	s3 =	sadd.s32 s3, s9;
	s6 =	sadd.s32 @!p0 $0x88, s6;
	s7 =	simm.s32 @p2 $0x1082  }
0x22: {  	[simem:s7], [sflag:s8] =	dma.local @!p0 [hbm:s6], $0xF7A  }
0x23: {  	s9 =	sor.u32 $0xD0000000, s2;
	s6 =	simm.s32 $0x108;
	_ =	swait.ge @!p0 [sflag:s8], $0x0  }
0x24: {  	s3 =	sadd.s32 $0x88, s3;
	s6 =	simm.s32 @!p1 $0x1082;
	[sflag:s4] =	ssyncset.s32 $0xFFFFF086  }
0x25: {  	[simem:s6], [sflag:s4] =	dma.local [hbm:s3], $0xF7A  }
0x26: {  	[smem:$0x3F9A] =	sst s1;
	(tag) =	ssettag s2;
	_ =	strace s9  }
0x27: {  	s1 =	sld [smem:$0x3FAA]  }
0x28: {  	s2 =	sld [smem:$0x3FAB]  }
0x29: {  	s4 =	sld [smem:$0x3FAD]  }
0x2a: {  	p0 =	seq.s32 s5, $0x0;
	s5 =	sld [smem:$0x3FAE]  }
0x2b: {  	s6 =	sld [smem:$0x3FAF]  }
0x2c: {  	s7 =	sld [smem:$0x3FB0]  }
0x2d: {  	s3 =	simm.s32 $0x108;
	s8 =	sld [smem:$0x3FB1]  }
0x2e: {  	s3 =	simm.s32 @!p0 $0x1082;
	s9 =	sld [smem:$0x3FB2]  }
0x2f: {  	lr =	sadd.s32 s0, s3;
	s0 =	sld [smem:$0x3FA9]  }
0x30: {  	s3 =	sld [smem:$0x3FAC]  }
0x31: {  	[smem:$0x3FB5] =	sst s10  }
0x32: {  	s10 =	sld [smem:$0x3FB3];
	_ =	sdelay $0x3  }
0x33: {  	p0 =	seq.s32 s10, $0x1;
	s10 =	sld [smem:$0x3FB5];
	_ =	sdelay $0x3  }
0x34: {  	[smem:$0x3FB5] =	sst s10  }
0x35: {  	s10 =	sld [smem:$0x3FB4];
	_ =	sdelay $0x3  }
0x36: {  	p1 =	seq.s32 s10, $0x1;
	s10 =	sld [smem:$0x3FB5];
	_ =	sdelay $0x3  }
0x37: {  	[smem:$0x3FB5] =	sst s10  }
0x38: {  	s10 =	sld [smem:$0x3FB6]  }
0x39: {  	_ = 	snop;
	(pc) =	sbr.ind lr, $3  }
0x3a: {  	_ = 	snop  }
0x3b: {  	_ = 	snop  }
0x3c: {  	p2 =	seq.s32 s10, $0x1;
	s10 =	sld [smem:$0x3FB5]  }
0x3d: {  	_ =	shalt  }
0x3e: {  	_ =	shalt  }
0x3f: {  	_ =	shalt  }
0x40: {  	_ =	shalt  }
0x41: {  	_ =	shalt  }
0x42: {  	_ =	shalt  }
0x43: {  	_ =	shalt  }
0x44: {  	_ =	shalt  }
0x45: {  	_ =	shalt  }
0x46: {  	_ =	shalt  }
0x47: {  	_ =	shalt  }
0x48: {  	_ =	shalt  }
0x49: {  	_ =	shalt  }
0x4a: {  	_ =	shalt  }
0x4b: {  	_ =	shalt  }
0x4c: {  	_ =	shalt  }
0x4d: {  	_ =	shalt  }
0x4e: {  	_ =	shalt  }
0x4f: {  	_ =	shalt  }
0x50: {  	_ =	shalt  }
0x51: {  	_ =	shalt  }
0x52: {  	_ =	shalt  }
0x53: {  	_ =	shalt  }
0x54: {  	_ =	shalt  }
0x55: {  	_ =	shalt  }
0x56: {  	_ =	shalt  }
0x57: {  	_ =	shalt  }
0x58: {  	_ =	shalt  }
0x59: {  	_ =	shalt  }
0x5a: {  	_ =	shalt  }
0x5b: {  	_ =	shalt  }
0x5c: {  	_ =	shalt  }
0x5d: {  	_ =	shalt  }
0x5e: {  	_ =	shalt  }
0x5f: {  	_ =	shalt  }
0x60: {  	_ =	shalt  }
0x61: {  	_ =	shalt  }
0x62: {  	_ =	shalt  }
0x63: {  	_ =	shalt  }
0x64: {  	_ =	shalt  }
0x65: {  	_ =	shalt  }
0x66: {  	_ =	shalt  }
0x67: {  	_ =	shalt  }
0x68: {  	_ =	shalt  }
0x69: {  	_ =	shalt  }
0x6a: {  	_ =	shalt  }
0x6b: {  	_ =	shalt  }
0x6c: {  	_ =	shalt  }
0x6d: {  	_ =	shalt  }
0x6e: {  	_ =	shalt  }
0x6f: {  	_ =	shalt  }
0x70: {  	_ =	shalt  }
0x71: {  	_ =	shalt  }
0x72: {  	_ =	shalt  }
0x73: {  	_ =	shalt  }
0x74: {  	_ =	shalt  }
0x75: {  	_ =	shalt  }
0x76: {  	_ =	shalt  }
0x77: {  	_ =	shalt  }
0x78: {  	_ =	shalt  }
0x79: {  	_ =	shalt  }
0x7a: {  	_ =	shalt  }
0x7b: {  	_ =	shalt  }
0x7c: {  	_ =	shalt  }
0x7d: {  	_ =	shalt  }
0x7e: {  	_ =	shalt  }
0x7f: {  	_ =	shalt  }
0x80: {  	_ =	shalt  }
0x81: {  	_ =	shalt  }
0x82: {  	_ =	shalt  }
0x83: {  	_ =	shalt  }
0x84: {  	_ =	shalt  }
0x85: {  	_ =	shalt  }
0x86: {  	_ =	shalt  }
0x87: {  	_ =	shalt  }
.Lfunc_end0:
.L_simem_size_0:
called_computation_lowered:
.L_overlay_start_0:
0x88: {  	s2 =	sld [smem:$0x3FD9]  }
0x89: {  	s3 =	sld [smem:$0x3FFE];
	_ =	sdelay $0x1  }
0x8a: {  	s1 =	srdreg.scid  }
0x8b: {  	s0 =	sand.u32 $0x1, s1  }
0x8c: {  	s16 =	sshll.u32 s0, $0xA;
	s2 =	sadd.s32 s3, s2  }
0x8d: {  	s2 =	sadd.s32 s2, s16  }
0x8e: {  	[smem:$0x3FC1] =	sst s2  }
0x8f: {  	_ = 	snop  }
0x90: {  	(tm) =	ssettm $0x1  }
0x91: {  	s17 =	sld [smem:$0x3FFB];
	_ =	sdelay $0x3  }
0x92: {  	_ =	strace s17  }
0x93: {  	s2 =	sld [smem:$0x3FFC];
	_ =	sdelay $0x3  }
0x94: {  	_ =	strace s2  }
0x95: {  	s2 =	sld [smem:$0x3FFD];
	_ =	sdelay $0x3  }
0x96: {  	_ =	strace s2  }
0x97: {  	_ =	strace $0x8FFFFFFF  }
0x98: {  	s18 =	sld [smem:$0x3FDB];
	_ =	sdelay $0x1  }
0x99: {  	s19 =	simm.s32 $_scs_section_size  }
0x9a: {  	s4 =	simm.s32 $_size__tile_overlayer_lowered;
	s5 =	simm.s32 $_tile_overlayer_lowered  }
0x9b: {  	s22 =	simm.s32 $0x1BFF;
	s21 =	sshll.u32 s5, $0x1;
	s2 =	sadd.s32 s19, s18  }
0x9c: {  	s6 =	simm.s32 $0x0;
	s20 =	sshll.u32 s4, $0x1;
	s4 =	sadd.s32 s21, s2  }
0x9d: {  	[timem:s6], [sflag:s22] =	dma.local [hbm:s4], s20  }
0x9e: {  	_ =	swait.ge [sflag:s22], s20  }
0x9f: {  	s3 =	ssub.s32 $0x0, s20;
	[sflag:s22] =	ssyncset.done $0x0  }
0xa0: {  	[sflag:s22] =	ssyncadd.s32 s3;
	_ =	sdelay $0x1  }
0xa1: {  	s23 =	simm.s32 $0x1B8B  }
0xa2: {  	_ =	swait.ge [sflag:s23], $0x1  }
0xa3: {  	[sflag:s23] =	ssyncset.done $0x0  }
0xa4: {  	s25 =	simm.s32 $0x1B8E;
	s24 =	sld [smem:$0x3FFE];
	[sflag:s23] =	ssyncadd.s32 $0xFFFFFFFF  }
0xa5: {  	s26 =	simm.s32 $execute0_lowered;
	[smem:$0x3FD2] =	sst s25  }
0xa6: {  	s4 =	sshll.u32 s26, $0x1;
	_ =	strace $0x80000046;
	[dreg:$0x1] =	wrdreg $0xFFFFFFFF  }
0xa7: {  	s28 =	simm.s32 $_size_execute0_lowered;
	s2 =	sadd.s32 s2, s4;
	[dreg:$0x0] =	wrdreg $0x0  }
0xa8: {  	s4 =	sshll.u32 s28, $0x1;
	[dreg:$0x2] =	wrdreg s2  }
0xa9: {  	[dreg:$0x3] =	wrdreg s4  }
0xaa: {  	[dreg:$0x4] =	wrdreg $0xC0  }
0xab: {  	_ =	task [dreg:s6], $0x5FFFF  }
0xac: {  	[dreg:$0x1] =	wrdreg $0xFFFFFFFF  }
0xad: {  	[dreg:$0x0] =	wrdreg $0x60  }
0xae: {  	[dreg:$0x2] =	wrdreg s24  }
0xaf: {  	[dreg:$0x3] =	wrdreg $0x9  }
0xb0: {  	_ =	task.clear_ibuf [dreg:s6], $0x4FFFF;
	_ =	strace $0x90000046  }
0xb1: {  	s29 =	simm.s32 $0x9;
	_ =	strace $0x80000048  }
0xb2: {  	_ =	swait.ge [sflag:s29], $0x1  }
0xb3: {  	[sflag:s29] =	ssyncadd.s32 $0xFFFFFFFF  }
0xb4: {  	_ =	strace $0x90000048  }
0xb5: {  	_ =	sfence  }
0xb6: {  	s30 =	sld [smem:$0x0];
	_ =	sdelay $0x2  }
0xb7: {  	s31 =	sshll.u32 s1, $0xD;
	s1 =	sshrl.u32 s1, $0x2  }
0xb8: {  	s3 =	sand.u32 $0x4000, s31;
	s1 =	sadd.s32 s1, s30  }
0xb9: {  	s0 =	sor.u32 s3, s0;
	s1 =	sshll.u32 s1, $0x11  }
0xba: {  	s0 =	sor.u32 s1, s0  }
0xbb: {  	s0 =	sadd.s32 $0x8F2B, s0  }
0xbc: {  	[sflag:s0] =	ssyncadd.remote.s32 $0x1  }
0xbd: {  	_ =	sfence.sel $0xFFFF  }
0xbe: {  	[dreg:$0x0] =	wrdreg $0xFFFFFFFF;
	(pc) =	sbr.abs _section_cstart, $3  }
0xbf: {  	[dreg:$0x1] =	wrdreg $0xFFFFFFFF  }
0xc0: {  	_ =	task.clear_ibuf [dreg:s6], $0x2FFFF;
	_ =	strace $0x9FFFFFFF  }
0xc1: {  	(tm) =	ssettm $0x7FFFFFFF  }
tec
execute0_lowered:
.L_overlay_start_1:
0x0: {  	(tag) =	ssettag $0x1  }
0x1: {  	s3 =	rddreg [dreg:$0x0];
	s2 =	srdreg.scid  }
0x2: {  	s0 =	rddreg [dreg:$0x1];
	s1 =	simm.s32 $0x0;
	s8 =	simm.s32 $0x2  }
.Ltmp0:
0x3: {  	s9 =	simm.s32 $0xC000;
	s2 =	sand.u32 $0x1, s2;
	(pc) =	sbr.rel .LBB2_1-.Ltmp0, $4  }
0x4: {  	s10 =	simm.s32 $0x1;
	s11 =	simm.s32 $0x0;
	s6 =	ssub.s32 $0x2, s2  }
0x5: {  	[smem:$0x7FF] =	sst s1;
	s4 =	sadd.s32 $0xE00, s3;
	s7 =	sshrl.u32 s6, $0x1  }
0x6: {  	s5 =	sadd.s32 $0x7A3600, s3;
	s3 =	stileid.u32;
	s7 =	ssub.s32 s6, s7  }
0x7: {  	v0 =	vimm.f32 $0.0e+00;
	v1 =	vlaneseq.u32;
	v2 =	vimm.f32 $1.000000000e+00;
	_ =	strace $0x80000047;
	s6 =	sshll.u32 s3, $0x1;
	s7 =	smax.u32 s7, $0x1  }
.LBB2_9:
0x8: {  	s11 =	sadd.s32 $0x1, s11  }
0x9: {  	p0 =	sne.s32 s11, s7  }
.Ltmp1:
0xa: {  	_ = 	snop;
	(pc) =	sbr.rel @!p0 .LBB2_10-.Ltmp1, $1  }
0xb: {  	_ =	sdelay $0x3  }
.LBB2_1:
.Ltmp2:
0xc: {  	(pc) =	sbr.rel .LBB2_2-.Ltmp2, $2  }
0xd: {  	_ =	sdelay $0x2  }
0xe: {  	s12 =	simm.s32 $0x0  }
.LBB2_8:
0xf: {  	s12 =	sadd.s32 $0x1, s12  }
0x10: {  	p0 =	sne.s32 s12, $0x29  }
.Ltmp3:
0x11: {  	_ = 	snop;
	(pc) =	sbr.rel @!p0 .LBB2_9-.Ltmp3, $1  }
0x12: {  	_ =	sdelay $0x3  }
.LBB2_2:
0x13: {  	s13 =	sshll.u32 s12, $0x5  }
0x14: {  	s13 =	sor.u32 s13, s6  }
0x15: {  	s13 =	sor.u32 s2, s13  }
0x16: {  	p0 =	sgt.u32 s13, $0x516  }
.Ltmp4:
0x17: {  	_ = 	snop;
	(pc) =	sbr.rel @p0 .LBB2_8-.Ltmp4, $1  }
0x18: {  	_ =	sdelay $0x3  }
0x19: {  	s13 =	smul.u32 $0x1800, s13;
	_ =	sdelay $0x1  }
0x1a: {  	s14 =	simm.s32 $0x0;
	s15 =	sadd.s32 s4, s13  }
0x1b: {  	[tilespmem:s14], [sflag:$0x2] =	stream.linear.gather [hbm4b:s15+s14], $0xC000, $0x38;
	[tilespmem:$0x18000] =	vst v63  }
0x1c: {  	_ =	swait.ge [sflag:s8], $0xC000  }
0x1d: {  	[sflag:s8] =	ssyncset.done $0x0  }
0x1e: {  	s15 =	simm.s32 $0x0;
	[sflag:s8] =	ssyncadd.s32 $0xFFFF4000  }
0x1f: {  	[tilespmem:s15+$0xC050] =	vst v0  }
0x20: {  	[tilespmem:s15+$0xC000] =	vst v0  }
0x21: {  	[tilespmem:s15+$0xC010] =	vst v0  }
0x22: {  	[tilespmem:s15+$0xC020] =	vst v0  }
0x23: {  	s16 =	simm.s32 $0x200;
	[tilespmem:s15+$0xC030] =	vst v0  }
.LBB2_4:
0x24: {  	p0 =	sne.s32 s16, $0x2FE00;
	[tilespmem:s15+$0xC040] =	vst v0;
	s15 =	sshra.s32 s16, $0x2;
	s16 =	sadd.s32 $0x200, s16  }
.Ltmp5:
0x25: {  	[tilespmem:s15+$0xC050] =	vst v0;
	(pc) =	sbr.rel @p0 .LBB2_4-.Ltmp5, $4  }
0x26: {  	[tilespmem:s15+$0xC000] =	vst v0  }
0x27: {  	[tilespmem:s15+$0xC010] =	vst v0  }
0x28: {  	[tilespmem:s15+$0xC020] =	vst v0  }
0x29: {  	[tilespmem:s15+$0xC030] =	vst v0  }
0x2a: {  	v3 =	vor.u32 s14, v1  }
0x2b: {  	vm0 =	vlt.s32 v3, $0x17F  }
0x2c: {  	v3 =	vnsel vm0, $0x17F, v3  }
0x2d: {  	v3 =	vshll.u32 v3, $0x7  }
0x2e: {  	v4 =	vor.u32 $0x1, v3;
	_ =	sdelay $0x1  }
0x2f: {  	v5 =	vor.u32 $0x2, v3  }
0x30: {  	[tilespmem:s15+$0xC040] =	vst v0  }
0x31: {  	v6 =	vor.u32 $0x3, v3;
	v7 =	vld.idx.msk [tilespmem:v3+s1+$0x0], $0xffff  }
0x32: {  	v4 =	vld.idx.msk [tilespmem:v4+s1+$0x0], $0xffff  }
0x33: {  	v8 =	vor.u32 $0x4, v3  }
0x34: {  	v5 =	vld.idx.msk [tilespmem:v5+s1+$0x0], $0xffff  }
0x35: {  	v9 =	vor.u32 $0x5, v3  }
0x36: {  	v6 =	vld.idx.msk [tilespmem:v6+s1+$0x0], $0xffff  }
0x37: {  	v10 =	vor.u32 $0x6, v3;
	v12 =	vand.u32 $0xF, v7;
	v11 =	vand.u32 $0xF, v4  }
0x38: {  	v13 =	vor.u32 $0x7, v3;
	v8 =	vld.idx.msk [tilespmem:v8+s1+$0x0], $0xffff;
	vm12 =	vne.s32 v12, $0xF;
	vm9 =	vne.s32 v11, $0xF  }
0x39: {  	v14 =	vand.u32 $0xF, v5;
	v15 =	vsel vm12, $0x3F800000, v0;
	v16 =	vsel vm9, $0x3F800000, v0  }
0x3a: {  	v9 =	vld.idx.msk [tilespmem:v9+s1+$0x0], $0xffff;
	vm13 =	vne.s32 v14, $0xF;
	v15 =	vadd.f32 v16, v15  }
0x3b: {  	v17 =	vand.u32 $0xF, v6;
	v18 =	vsel vm13, $0x3F800000, v0;
	v16 =	vor.u32 $0x8, v3  }
0x3c: {  	v10 =	vld.idx.msk [tilespmem:v10+s1+$0x0], $0xffff;
	vm14 =	vne.s32 v17, $0xF;
	v15 =	vadd.f32 v18, v15  }
0x3d: {  	v52 =	vor.u32 $0x9, v3;
	v19 =	vand.u32 $0xF, v8;
	v20 =	vsel vm14, $0x3F800000, v0  }
0x3e: {  	v13 =	vld.idx.msk [tilespmem:v13+s1+$0x0], $0xffff;
	vm11 =	vne.s32 v19, $0xF;
	v15 =	vadd.f32 v20, v15  }
0x3f: {  	v53 =	vor.u32 $0xA, v3;
	v21 =	vand.u32 $0xF, v9;
	v22 =	vsel vm11, $0x3F800000, v0  }
0x40: {  	vm10 =	vne.s32 v21, $0xF;
	v16 =	vld.idx.msk [tilespmem:v16+s1+$0x0], $0xffff;
	v15 =	vadd.f32 v22, v15  }
0x41: {  	v54 =	vor.u32 $0xB, v3;
	v23 =	vand.u32 $0xF, v10;
	v24 =	vsel vm10, $0x3F800000, v0  }
0x42: {  	vm8 =	vne.s32 v23, $0xF;
	v18 =	vld.idx.msk [tilespmem:v52+s1+$0x0], $0xffff;
	v15 =	vadd.f32 v24, v15  }
0x43: {  	v55 =	vor.u32 $0xC, v3;
	v25 =	vand.u32 $0xF, v13;
	v26 =	vsel vm8, $0x3F800000, v0  }
0x44: {  	vm7 =	vne.s32 v25, $0xF;
	v20 =	vld.idx.msk [tilespmem:v53+s1+$0x0], $0xffff;
	v15 =	vadd.f32 v26, v15  }
0x45: {  	v56 =	vor.u32 $0xD, v3;
	v28 =	vsel vm7, $0x3F800000, v0;
	v27 =	vand.u32 $0xF, v16  }
0x46: {  	v22 =	vld.idx.msk [tilespmem:v54+s1+$0x0], $0xffff;
	vm6 =	vne.s32 v27, $0xF;
	v15 =	vadd.f32 v28, v15  }
0x47: {  	v57 =	vand.u32 $0xF, v18;
	v29 =	vsel vm6, $0x3F800000, v0  }
0x48: {  	v24 =	vld.idx.msk [tilespmem:v55+s1+$0x0], $0xffff;
	vm5 =	vne.s32 v57, $0xF;
	v15 =	vadd.f32 v29, v15  }
0x49: {  	v58 =	vand.u32 $0xF, v20;
	v30 =	vsel vm5, $0x3F800000, v0  }
0x4a: {  	v26 =	vld.idx.msk [tilespmem:v56+s1+$0x0], $0xffff;
	vm4 =	vne.s32 v58, $0xF;
	v15 =	vadd.f32 v30, v15  }
0x4b: {  	v59 =	vand.u32 $0xF, v22;
	v31 =	vsel vm4, $0x3F800000, v0  }
0x4c: {  	vm3 =	vne.s32 v59, $0xF;
	v15 =	vadd.f32 v31, v15  }
0x4d: {  	v60 =	vand.u32 $0xF, v24;
	v32 =	vsel vm3, $0x3F800000, v0  }
0x4e: {  	vm2 =	vne.s32 v60, $0xF;
	v15 =	vadd.f32 v32, v15  }
0x4f: {  	v61 =	vand.u32 $0xF, v26;
	v33 =	vsel vm2, $0x3F800000, v0  }
0x50: {  	vm1 =	vne.s32 v61, $0xF;
	v15 =	vadd.f32 v33, v15  }
0x51: {  	v62 =	vsel vm1, $0x3F800000, v0  }
0x52: {  	v15 =	vadd.f32 v62, v15;
	_ =	sdelay $0x1  }
0x53: {  	v15 =	vadd.f32 $1.000000010e-10, v15;
	_ =	sdelay $0x1  }
0x54: {  	(erf) = vrcp.f32 v15;
	_ =	sdelay $0x1  }
0x55: {  	v63 =	vor.u32 $0xE, v3;
	v7 =	vshrl.u32 v7, $0x4;
	v15 =	vmov s14  }
0x56: {  	v4 =	vshrl.u32 v4, $0x4;
	v7 =	vand.u32 $0x3F, v7;
	vm0 =	vlt.u32 v15, $0x180  }
0x57: {  	v12 =	vor.u32 v3, v12;
	v4 =	vand.u32 $0x3F, v4;
	vm12 =	vmand vm0, vm12  }
0x58: {  	v7 =	vor.u32 v3, v7;
	v15 =	vor.u32 v3, v4;
	v4 =	vshrl.u32 v5, $0x4  }
0x59: {  	v12 =	vadd.s32 $0x28, v12;
	vm15 =	vmand vm0, vm9;
	v4 =	vand.u32 $0x3F, v4  }
0x5a: {  	v6 =	vshrl.u32 v6, $0x4;
	v10 =	vshrl.u32 v10, $0x4;
	v5 =	vor.u32 v3, v11  }
0x5b: {  	v6 =	vand.u32 $0x3F, v6;
	vm13 =	vmand vm0, vm13;
	v5 =	vadd.s32 $0x28, v5  }
0x5c: {  	v10 =	vand.u32 $0x3F, v10;
	v33 =	vld.idx.msk [tilespmem:v63+s1+$0x0], $0xffff;
	v11 =	vor.u32 v3, v14;
	v14 =	vor.u32 v3, v4;
	v4 =	vpop (erf)  }
0x5d: {  	v6 =	vor.u32 v3, v6;
	vm14 =	vmand vm0, vm14;
	v11 =	vadd.s32 $0x28, v11;
	[tilespmem:v7+s9+$0x0] =	vst.idx.add.f32.msk vm12, v4  }
0x5e: {  	v10 =	vor.u32 v3, v10;
	v7 =	vshrl.u32 v8, $0x4;
	v8 =	vor.u32 v3, v17;
	[tilespmem:v12+s9+$0x0] =	vst.idx.add.f32.msk vm0, v4  }
0x5f: {  	vm11 =	vmand vm0, vm11;
	v7 =	vand.u32 $0x3F, v7;
	v8 =	vadd.s32 $0x28, v8;
	[tilespmem:v15+s9+$0x0] =	vst.idx.add.f32.msk vm15, v4  }
0x60: {  	v9 =	vshrl.u32 v9, $0x4;
	v12 =	vor.u32 v3, v19;
	v7 =	vor.u32 v3, v7;
	[tilespmem:v5+s9+$0x0] =	vst.idx.add.f32.msk vm0, v4  }
0x61: {  	vm10 =	vmand vm0, vm10;
	v5 =	vand.u32 $0x3F, v9;
	v9 =	vadd.s32 $0x28, v12;
	[tilespmem:v14+s9+$0x0] =	vst.idx.add.f32.msk vm13, v4  }
0x62: {  	v12 =	vor.u32 v3, v21;
	v5 =	vor.u32 v3, v5;
	[tilespmem:v11+s9+$0x0] =	vst.idx.add.f32.msk vm0, v4  }
0x63: {  	vm8 =	vmand vm0, vm8;
	vm7 =	vmand vm0, vm7;
	[tilespmem:v6+s9+$0x0] =	vst.idx.add.f32.msk vm14, v4;
	v6 =	vadd.s32 $0x28, v12  }
0x64: {  	vm6 =	vmand vm0, vm6;
	v11 =	vshrl.u32 v13, $0x4;
	v12 =	vor.u32 v3, v23;
	[tilespmem:v8+s9+$0x0] =	vst.idx.add.f32.msk vm0, v4  }
0x65: {  	vm5 =	vmand vm0, vm5;
	v8 =	vand.u32 $0x3F, v11;
	[tilespmem:v7+s9+$0x0] =	vst.idx.add.f32.msk vm11, v4;
	v7 =	vadd.s32 $0x28, v12  }
0x66: {  	v11 =	vshrl.u32 v16, $0x4;
	v8 =	vor.u32 v3, v8;
	v12 =	vor.u32 v3, v25;
	[tilespmem:v9+s9+$0x0] =	vst.idx.add.f32.msk vm0, v4  }
0x67: {  	vm4 =	vmand vm0, vm4;
	v9 =	vand.u32 $0x3F, v11;
	[tilespmem:v5+s9+$0x0] =	vst.idx.add.f32.msk vm10, v4;
	v5 =	vadd.s32 $0x28, v12  }
0x68: {  	v11 =	vshrl.u32 v18, $0x4;
	v9 =	vor.u32 v3, v9;
	v12 =	vor.u32 v3, v27;
	[tilespmem:v6+s9+$0x0] =	vst.idx.add.f32.msk vm0, v4  }
0x69: {  	vm3 =	vmand vm0, vm3;
	v6 =	vand.u32 $0x3F, v11;
	[tilespmem:v10+s9+$0x0] =	vst.idx.add.f32.msk vm8, v4;
	v10 =	vadd.s32 $0x28, v12  }
0x6a: {  	v11 =	vshrl.u32 v20, $0x4;
	v6 =	vor.u32 v3, v6;
	v12 =	vor.u32 v3, v57;
	[tilespmem:v7+s9+$0x0] =	vst.idx.add.f32.msk vm0, v4  }
0x6b: {  	vm2 =	vmand vm0, vm2;
	v7 =	vand.u32 $0x3F, v11;
	[tilespmem:v8+s9+$0x0] =	vst.idx.add.f32.msk vm7, v4;
	v8 =	vadd.s32 $0x28, v12  }
0x6c: {  	v11 =	vshrl.u32 v22, $0x4;
	v7 =	vor.u32 v3, v7;
	v12 =	vor.u32 v3, v58;
	[tilespmem:v5+s9+$0x0] =	vst.idx.add.f32.msk vm0, v4  }
0x6d: {  	vm1 =	vmand vm0, vm1;
	v5 =	vand.u32 $0x3F, v11;
	[tilespmem:v9+s9+$0x0] =	vst.idx.add.f32.msk vm6, v4;
	v9 =	vadd.s32 $0x28, v12  }
0x6e: {  	v11 =	vshrl.u32 v24, $0x4;
	v5 =	vor.u32 v3, v5;
	v12 =	vor.u32 v3, v59;
	[tilespmem:v10+s9+$0x0] =	vst.idx.add.f32.msk vm0, v4  }
0x6f: {  	v10 =	vand.u32 $0x3F, v11;
	v11 =	vshrl.u32 v26, $0x4;
	[tilespmem:v6+s9+$0x0] =	vst.idx.add.f32.msk vm5, v4;
	v6 =	vadd.s32 $0x28, v12  }
0x70: {  	s14 =	simm.s32 $0x10;
	v10 =	vor.u32 v3, v10;
	v12 =	vor.u32 v3, v60;
	[tilespmem:v8+s9+$0x0] =	vst.idx.add.f32.msk vm0, v4;
	v8 =	vand.u32 $0x3F, v11  }
0x71: {  	v11 =	vor.u32 s14, v1;
	[tilespmem:v7+s9+$0x0] =	vst.idx.add.f32.msk vm4, v4;
	v7 =	vadd.s32 $0x28, v12;
	v16 =	vor.u32 v3, v8  }
0x72: {  	v8 =	vand.u32 $0x1F, v33;
	vm15 =	vlt.s32 v11, $0x17F;
	[tilespmem:v9+s9+$0x0] =	vst.idx.add.f32.msk vm0, v4;
	v9 =	vor.u32 v3, v61  }
0x73: {  	v8 =	vor.u32 v3, v8;
	v3 =	vnsel vm15, $0x17F, v11;
	[tilespmem:v5+s9+$0x0] =	vst.idx.add.f32.msk vm3, v4;
	v13 =	vadd.s32 $0x28, v9  }
0x74: {  	v3 =	vshll.u32 v3, $0x7;
	v14 =	vadd.s32 $0x38, v8;
	[tilespmem:v6+s9+$0x0] =	vst.idx.add.f32.msk vm0, v4  }
0x75: {  	v15 =	vor.u32 $0x1, v3;
	v12 =	vor.u32 $0x2, v3;
	v8 =	vor.u32 $0x3, v3;
	[tilespmem:v10+s9+$0x0] =	vst.idx.add.f32.msk vm2, v4  }
0x76: {  	v5 =	vor.u32 $0x4, v3;
	v9 =	vor.u32 $0x5, v3;
	v6 =	vor.u32 $0x6, v3;
	[tilespmem:v7+s9+$0x0] =	vst.idx.add.f32.msk vm0, v4  }
0x77: {  	s15 =	simm.s32 $0x20;
	v11 =	vor.u32 $0x9, v3;
	v10 =	vor.u32 $0x8, v3;
	v7 =	vor.u32 $0x7, v3;
	[tilespmem:v16+s9+$0x0] =	vst.idx.add.f32.msk vm1, v4  }
.LBB2_6:
0x78: {  	p0 =	sne.s32 s15, $0x170;
	v16 =	vor.u32 $0xA, v3;
	v17 =	vor.u32 $0xB, v3;
	v18 =	vor.u32 $0xC, v3;
	[tilespmem:v13+s9+$0x0] =	vst.idx.add.f32.msk vm0, v4;
	s16 =	smov.u32 s15;
	s15 =	sadd.s32 $0x10, s15  }
0x79: {  	v13 =	vor.u32 $0xD, v3;
	v4 =	vor.u32 $0xE, v3;
	[tilespmem:v14+s9+$0x0] =	vst.idx.add.f32.msk vm0, v2  }
0x7a: {  	v14 =	vld.idx.msk [tilespmem:v15+s1+$0x0], $0xffff  }
0x7b: {  	v15 =	vld.idx.msk [tilespmem:v3+s1+$0x0], $0xffff  }
0x7c: {  	v12 =	vld.idx.msk [tilespmem:v12+s1+$0x0], $0xffff;
	_ =	sdelay $0x1  }
0x7d: {  	v19 =	vld.idx.msk [tilespmem:v8+s1+$0x0], $0xffff  }
0x7e: {  	v20 =	vmov s14;
	s14 =	smov.u32 s16  }
0x7f: {  	v21 =	vld.idx.msk [tilespmem:v5+s1+$0x0], $0xffff;
	v5 =	vand.u32 $0xF, v14;
	v14 =	vshrl.u32 v14, $0x4  }
0x80: {  	v22 =	vand.u32 $0xF, v15;
	v8 =	vshrl.u32 v15, $0x4;
	vm1 =	vne.s32 v5, $0xF  }
0x81: {  	vm0 =	vlt.u32 v20, $0x180;
	vm2 =	vne.s32 v22, $0xF;
	v20 =	vand.u32 $0xF, v12;
	v15 =	vld.idx.msk [tilespmem:v9+s1+$0x0], $0xffff  }
0x82: {  	v9 =	vsel vm2, $0x3F800000, v0;
	v23 =	vsel vm1, $0x3F800000, v0;
	vm3 =	vne.s32 v20, $0xF  }
0x83: {  	vm6 =	vmand vm0, vm2;
	v23 =	vadd.f32 v23, v9;
	v24 =	vld.idx.msk [tilespmem:v6+s1+$0x0], $0xffff;
	v6 =	vand.u32 $0xF, v19  }
0x84: {  	v25 =	vsel vm3, $0x3F800000, v0;
	v9 =	vor.u32 v3, v22;
	vm2 =	vne.s32 v6, $0xF  }
0x85: {  	vm7 =	vmand vm0, vm1;
	v23 =	vadd.f32 v25, v23;
	v22 =	vld.idx.msk [tilespmem:v7+s1+$0x0], $0xffff;
	v7 =	vand.u32 $0xF, v21  }
0x86: {  	vm4 =	vmand vm0, vm3;
	v25 =	vsel vm2, $0x3F800000, v0;
	vm1 =	vne.s32 v7, $0xF  }
0x87: {  	vm3 =	vmand vm0, vm2;
	v23 =	vadd.f32 v25, v23;
	v26 =	vld.idx.msk [tilespmem:v10+s1+$0x0], $0xffff;
	v10 =	vand.u32 $0xF, v15  }
0x88: {  	v25 =	vsel vm1, $0x3F800000, v0;
	vm1 =	vmand vm0, vm1;
	vm5 =	vne.s32 v10, $0xF  }
0x89: {  	v23 =	vadd.f32 v25, v23;
	v27 =	vld.idx.msk [tilespmem:v11+s1+$0x0], $0xffff;
	v11 =	vand.u32 $0xF, v24;
	vm2 =	vmand vm0, vm5  }
0x8a: {  	v14 =	vand.u32 $0x3F, v14;
	v25 =	vsel vm5, $0x3F800000, v0;
	vm8 =	vne.s32 v11, $0xF  }
0x8b: {  	v23 =	vadd.f32 v25, v23;
	v25 =	vand.u32 $0xF, v22;
	v16 =	vld.idx.msk [tilespmem:v16+s1+$0x0], $0xffff;
	vm5 =	vmand vm0, vm8  }
0x8c: {  	v14 =	vor.u32 v3, v14;
	v28 =	vsel vm8, $0x3F800000, v0;
	vm9 =	vne.s32 v25, $0xF  }
0x8d: {  	v23 =	vadd.f32 v28, v23;
	v28 =	vand.u32 $0xF, v26;
	vm8 =	vmand vm0, vm9;
	v17 =	vld.idx.msk [tilespmem:v17+s1+$0x0], $0xffff  }
0x8e: {  	v12 =	vshrl.u32 v12, $0x4;
	v29 =	vsel vm9, $0x3F800000, v0;
	vm10 =	vne.s32 v28, $0xF  }
0x8f: {  	v23 =	vadd.f32 v29, v23;
	v29 =	vand.u32 $0xF, v27;
	vm9 =	vmand vm0, vm10;
	v18 =	vld.idx.msk [tilespmem:v18+s1+$0x0], $0xffff  }
0x90: {  	v12 =	vand.u32 $0x3F, v12;
	v30 =	vsel vm10, $0x3F800000, v0;
	vm10 =	vne.s32 v29, $0xF  }
0x91: {  	v23 =	vadd.f32 v30, v23;
	v30 =	vand.u32 $0xF, v16;
	vm11 =	vmand vm0, vm10;
	v13 =	vld.idx.msk [tilespmem:v13+s1+$0x0], $0xffff  }
0x92: {  	v20 =	vor.u32 v3, v20;
	v31 =	vsel vm10, $0x3F800000, v0;
	vm10 =	vne.s32 v30, $0xF  }
0x93: {  	v23 =	vadd.f32 v31, v23;
	v31 =	vand.u32 $0xF, v17;
	vm13 =	vmand vm0, vm10  }
0x94: {  	v12 =	vor.u32 v3, v12;
	v32 =	vsel vm10, $0x3F800000, v0;
	vm10 =	vne.s32 v31, $0xF  }
0x95: {  	v23 =	vadd.f32 v32, v23;
	v32 =	vand.u32 $0xF, v18;
	vm14 =	vmand vm0, vm10  }
0x96: {  	v19 =	vshrl.u32 v19, $0x4;
	v33 =	vsel vm10, $0x3F800000, v0;
	vm10 =	vne.s32 v32, $0xF  }
0x97: {  	v23 =	vadd.f32 v33, v23;
	v33 =	vand.u32 $0xF, v13;
	vm12 =	vmand vm0, vm10  }
0x98: {  	v19 =	vand.u32 $0x3F, v19;
	v34 =	vsel vm10, $0x3F800000, v0;
	vm15 =	vne.s32 v33, $0xF  }
0x99: {  	v19 =	vor.u32 v3, v19;
	v23 =	vadd.f32 v34, v23;
	vm10 =	vmand vm0, vm15  }
0x9a: {  	v21 =	vshrl.u32 v21, $0x4;
	v15 =	vshrl.u32 v15, $0x4;
	v34 =	vsel vm15, $0x3F800000, v0  }
0x9b: {  	v21 =	vand.u32 $0x3F, v21;
	v15 =	vand.u32 $0x3F, v15;
	v23 =	vadd.f32 v34, v23  }
0x9c: {  	v21 =	vor.u32 v3, v21;
	v15 =	vor.u32 v3, v15;
	v24 =	vshrl.u32 v24, $0x4  }
0x9d: {  	v24 =	vand.u32 $0x3F, v24;
	v22 =	vshrl.u32 v22, $0x4;
	v23 =	vadd.f32 $1.000000010e-10, v23  }
0x9e: {  	v24 =	vor.u32 v3, v24;
	v22 =	vand.u32 $0x3F, v22;
	v26 =	vshrl.u32 v26, $0x4  }
0x9f: {  	v22 =	vor.u32 v3, v22;
	v26 =	vand.u32 $0x3F, v26;
	(erf) = vrcp.f32 v23  }
0xa0: {  	v16 =	vshrl.u32 v16, $0x4;
	v23 =	vor.u32 v3, v26;
	v26 =	vshrl.u32 v27, $0x4  }
0xa1: {  	v16 =	vand.u32 $0x3F, v16;
	v17 =	vshrl.u32 v17, $0x4;
	v26 =	vand.u32 $0x3F, v26  }
0xa2: {  	v8 =	vand.u32 $0x3F, v8;
	v16 =	vor.u32 v3, v16;
	v26 =	vor.u32 v3, v26  }
0xa3: {  	v8 =	vor.u32 v3, v8;
	v17 =	vand.u32 $0x3F, v17;
	v18 =	vshrl.u32 v18, $0x4  }
0xa4: {  	v17 =	vor.u32 v3, v17;
	v18 =	vand.u32 $0x3F, v18;
	v13 =	vshrl.u32 v13, $0x4  }
0xa5: {  	v9 =	vadd.s32 $0x28, v9;
	v18 =	vor.u32 v3, v18;
	v13 =	vand.u32 $0x3F, v13  }
0xa6: {  	v5 =	vor.u32 v3, v5;
	v6 =	vor.u32 v3, v6;
	v27 =	vor.u32 v3, v13  }
0xa7: {  	v5 =	vadd.s32 $0x28, v5;
	v7 =	vor.u32 v3, v7;
	v10 =	vor.u32 v3, v10;
	v13 =	vld.idx.msk [tilespmem:v4+s1+$0x0], $0xffff  }
0xa8: {  	v20 =	vadd.s32 $0x28, v20;
	v11 =	vor.u32 v3, v11;
	v25 =	vor.u32 v3, v25;
	v4 =	vpop (erf)  }
0xa9: {  	[tilespmem:v8+s9+$0x0] =	vst.idx.add.f32.msk vm6, v4;
	v8 =	vor.u32 v3, v28;
	v28 =	vor.u32 v3, v29  }
0xaa: {  	v29 =	vor.u32 v3, v31;
	[tilespmem:v9+s9+$0x0] =	vst.idx.add.f32.msk vm0, v4;
	v9 =	vor.u32 v3, v30  }
0xab: {  	v6 =	vadd.s32 $0x28, v6;
	v30 =	vor.u32 v3, v33;
	[tilespmem:v14+s9+$0x0] =	vst.idx.add.f32.msk vm7, v4;
	v14 =	vor.u32 v3, v32  }
0xac: {  	[tilespmem:v5+s9+$0x0] =	vst.idx.add.f32.msk vm0, v4  }
0xad: {  	v7 =	vadd.s32 $0x28, v7;
	v5 =	vand.u32 $0x1F, v13;
	[tilespmem:v12+s9+$0x0] =	vst.idx.add.f32.msk vm4, v4  }
0xae: {  	v5 =	vor.u32 v3, v5;
	[tilespmem:v20+s9+$0x0] =	vst.idx.add.f32.msk vm0, v4  }
0xaf: {  	v3 =	vadd.s32 $0x28, v10;
	[tilespmem:v19+s9+$0x0] =	vst.idx.add.f32.msk vm3, v4  }
0xb0: {  	[tilespmem:v6+s9+$0x0] =	vst.idx.add.f32.msk vm0, v4  }
0xb1: {  	v6 =	vadd.s32 $0x28, v11;
	[tilespmem:v21+s9+$0x0] =	vst.idx.add.f32.msk vm1, v4  }
0xb2: {  	[tilespmem:v7+s9+$0x0] =	vst.idx.add.f32.msk vm0, v4  }
0xb3: {  	v7 =	vadd.s32 $0x28, v25;
	[tilespmem:v15+s9+$0x0] =	vst.idx.add.f32.msk vm2, v4  }
0xb4: {  	[tilespmem:v3+s9+$0x0] =	vst.idx.add.f32.msk vm0, v4  }
0xb5: {  	v3 =	vadd.s32 $0x28, v8;
	[tilespmem:v24+s9+$0x0] =	vst.idx.add.f32.msk vm5, v4  }
0xb6: {  	[tilespmem:v6+s9+$0x0] =	vst.idx.add.f32.msk vm0, v4  }
0xb7: {  	v6 =	vadd.s32 $0x28, v28;
	[tilespmem:v22+s9+$0x0] =	vst.idx.add.f32.msk vm8, v4  }
0xb8: {  	[tilespmem:v7+s9+$0x0] =	vst.idx.add.f32.msk vm0, v4  }
0xb9: {  	v7 =	vadd.s32 $0x28, v9;
	[tilespmem:v23+s9+$0x0] =	vst.idx.add.f32.msk vm9, v4  }
0xba: {  	[tilespmem:v3+s9+$0x0] =	vst.idx.add.f32.msk vm0, v4  }
0xbb: {  	v8 =	vadd.s32 $0x28, v29;
	[tilespmem:v26+s9+$0x0] =	vst.idx.add.f32.msk vm11, v4  }
0xbc: {  	[tilespmem:v6+s9+$0x0] =	vst.idx.add.f32.msk vm0, v4  }
0xbd: {  	v10 =	vadd.s32 $0x28, v14;
	v3 =	vor.u32 s14, v1;
	[tilespmem:v16+s9+$0x0] =	vst.idx.add.f32.msk vm13, v4  }
0xbe: {  	vm1 =	vlt.s32 v3, $0x17F;
	[tilespmem:v7+s9+$0x0] =	vst.idx.add.f32.msk vm0, v4  }
.Ltmp6:
0xbf: {  	v13 =	vadd.s32 $0x28, v30;
	v3 =	vnsel vm1, $0x17F, v3;
	[tilespmem:v17+s9+$0x0] =	vst.idx.add.f32.msk vm14, v4;
	(pc) =	sbr.rel @p0 .LBB2_6-.Ltmp6, $4  }
0xc0: {  	v14 =	vadd.s32 $0x38, v5;
	v3 =	vshll.u32 v3, $0x7;
	[tilespmem:v8+s9+$0x0] =	vst.idx.add.f32.msk vm0, v4  }
0xc1: {  	v15 =	vor.u32 $0x1, v3;
	v12 =	vor.u32 $0x2, v3;
	v8 =	vor.u32 $0x3, v3;
	[tilespmem:v18+s9+$0x0] =	vst.idx.add.f32.msk vm12, v4  }
0xc2: {  	v5 =	vor.u32 $0x4, v3;
	v9 =	vor.u32 $0x5, v3;
	v6 =	vor.u32 $0x6, v3;
	[tilespmem:v10+s9+$0x0] =	vst.idx.add.f32.msk vm0, v4  }
0xc3: {  	v7 =	vor.u32 $0x7, v3;
	v11 =	vor.u32 $0x9, v3;
	v10 =	vor.u32 $0x8, v3;
	[tilespmem:v27+s9+$0x0] =	vst.idx.add.f32.msk vm10, v4  }
0xc4: {  	_ =	sdelay $0x4  }
0xc5: {  	[tilespmem:v13+s9+$0x0] =	vst.idx.add.f32.msk vm0, v4  }
0xc6: {  	[tilespmem:v14+s9+$0x0] =	vst.idx.add.f32.msk vm0, v2  }
0xc7: {  	v4 =	vld.idx.msk [tilespmem:v15+s1+$0x0], $0xffff  }
0xc8: {  	v13 =	vld.idx.msk [tilespmem:v3+s1+$0x0], $0xffff;
	_ =	sdelay $0x1  }
0xc9: {  	v12 =	vld.idx.msk [tilespmem:v12+s1+$0x0], $0xffff;
	_ =	sdelay $0x1  }
0xca: {  	v8 =	vld.idx.msk [tilespmem:v8+s1+$0x0], $0xffff  }
0xcb: {  	v47 =	vand.u32 $0xF, v4;
	v48 =	vand.u32 $0xF, v13  }
0xcc: {  	v5 =	vld.idx.msk [tilespmem:v5+s1+$0x0], $0xffff;
	vm12 =	vne.s32 v47, $0xF;
	vm14 =	vne.s32 v48, $0xF  }
0xcd: {  	v16 =	vand.u32 $0xF, v12;
	v17 =	vsel vm14, $0x3F800000, v0;
	v18 =	vsel vm12, $0x3F800000, v0  }
0xce: {  	v9 =	vld.idx.msk [tilespmem:v9+s1+$0x0], $0xffff;
	vm13 =	vne.s32 v16, $0xF;
	v17 =	vadd.f32 v18, v17  }
0xcf: {  	v49 =	vand.u32 $0xF, v8;
	v19 =	vsel vm13, $0x3F800000, v0  }
0xd0: {  	v6 =	vld.idx.msk [tilespmem:v6+s1+$0x0], $0xffff;
	vm11 =	vne.s32 v49, $0xF;
	v17 =	vadd.f32 v19, v17  }
0xd1: {  	v50 =	vand.u32 $0xF, v5;
	v20 =	vsel vm11, $0x3F800000, v0  }
0xd2: {  	v7 =	vld.idx.msk [tilespmem:v7+s1+$0x0], $0xffff;
	vm10 =	vne.s32 v50, $0xF;
	v17 =	vadd.f32 v20, v17  }
0xd3: {  	v51 =	vor.u32 $0xA, v3;
	v21 =	vand.u32 $0xF, v9;
	v22 =	vsel vm10, $0x3F800000, v0  }
0xd4: {  	v10 =	vld.idx.msk [tilespmem:v10+s1+$0x0], $0xffff;
	vm9 =	vne.s32 v21, $0xF;
	v17 =	vadd.f32 v22, v17  }
0xd5: {  	v52 =	vor.u32 $0xB, v3;
	v23 =	vand.u32 $0xF, v6;
	v24 =	vsel vm9, $0x3F800000, v0  }
0xd6: {  	v11 =	vld.idx.msk [tilespmem:v11+s1+$0x0], $0xffff;
	vm8 =	vne.s32 v23, $0xF;
	v17 =	vadd.f32 v24, v17  }
0xd7: {  	v53 =	vor.u32 $0xC, v3;
	v25 =	vand.u32 $0xF, v7;
	v26 =	vsel vm8, $0x3F800000, v0  }
0xd8: {  	vm7 =	vne.s32 v25, $0xF;
	v20 =	vld.idx.msk [tilespmem:v51+s1+$0x0], $0xffff;
	v17 =	vadd.f32 v26, v17  }
0xd9: {  	v54 =	vor.u32 $0xD, v3;
	v27 =	vand.u32 $0xF, v10;
	v28 =	vsel vm7, $0x3F800000, v0  }
0xda: {  	vm6 =	vne.s32 v27, $0xF;
	v22 =	vld.idx.msk [tilespmem:v52+s1+$0x0], $0xffff;
	v17 =	vadd.f32 v28, v17  }
0xdb: {  	v55 =	vand.u32 $0xF, v11;
	v29 =	vsel vm6, $0x3F800000, v0  }
0xdc: {  	vm5 =	vne.s32 v55, $0xF;
	v24 =	vld.idx.msk [tilespmem:v53+s1+$0x0], $0xffff;
	v17 =	vadd.f32 v29, v17  }
0xdd: {  	v30 =	vsel vm5, $0x3F800000, v0;
	v56 =	vand.u32 $0xF, v20  }
0xde: {  	v26 =	vld.idx.msk [tilespmem:v54+s1+$0x0], $0xffff;
	vm4 =	vne.s32 v56, $0xF;
	v17 =	vadd.f32 v30, v17  }
0xdf: {  	v57 =	vand.u32 $0xF, v22;
	v31 =	vsel vm4, $0x3F800000, v0  }
0xe0: {  	vm3 =	vne.s32 v57, $0xF;
	v17 =	vadd.f32 v31, v17  }
0xe1: {  	v58 =	vand.u32 $0xF, v24;
	v32 =	vsel vm3, $0x3F800000, v0  }
0xe2: {  	vm2 =	vne.s32 v58, $0xF;
	v17 =	vadd.f32 v32, v17  }
0xe3: {  	v33 =	vsel vm2, $0x3F800000, v0;
	v32 =	vand.u32 $0xF, v26  }
0xe4: {  	vm1 =	vne.s32 v32, $0xF;
	v17 =	vadd.f32 v33, v17  }
0xe5: {  	v59 =	vsel vm1, $0x3F800000, v0  }
0xe6: {  	v17 =	vadd.f32 v59, v17;
	_ =	sdelay $0x1  }
0xe7: {  	v17 =	vadd.f32 $1.000000010e-10, v17;
	_ =	sdelay $0x1  }
0xe8: {  	(erf) = vrcp.f32 v17;
	_ =	sdelay $0x1  }
0xe9: {  	v60 =	vmov s14  }
0xea: {  	vm0 =	vlt.u32 v60, $0x180;
	v13 =	vshrl.u32 v13, $0x4  }
0xeb: {  	v61 =	vor.u32 $0xE, v3;
	v13 =	vand.u32 $0x3F, v13;
	vm14 =	vmand vm0, vm14  }
0xec: {  	v4 =	vshrl.u32 v4, $0x4;
	v15 =	vor.u32 v3, v48;
	v13 =	vor.u32 v3, v13  }
0xed: {  	v4 =	vand.u32 $0x3F, v4;
	vm12 =	vmand vm0, vm12;
	v15 =	vadd.s32 $0x28, v15  }
0xee: {  	v12 =	vshrl.u32 v12, $0x4;
	v14 =	vor.u32 v3, v47;
	v4 =	vor.u32 v3, v4  }
0xef: {  	v12 =	vand.u32 $0x3F, v12;
	vm13 =	vmand vm0, vm13;
	v14 =	vadd.s32 $0x28, v14  }
0xf0: {  	v8 =	vshrl.u32 v8, $0x4;
	v16 =	vor.u32 v3, v16;
	v12 =	vor.u32 v3, v12;
	v17 =	vld.idx.msk [tilespmem:v61+s1+$0x0], $0xffff;
	v33 =	vpop (erf)  }
0xf1: {  	v8 =	vand.u32 $0x3F, v8;
	vm11 =	vmand vm0, vm11;
	v16 =	vadd.s32 $0x28, v16;
	[tilespmem:v13+s9+$0x0] =	vst.idx.add.f32.msk vm14, v33  }
0xf2: {  	v5 =	vshrl.u32 v5, $0x4;
	v62 =	vor.u32 v3, v49;
	v8 =	vor.u32 v3, v8;
	[tilespmem:v15+s9+$0x0] =	vst.idx.add.f32.msk vm0, v33  }
0xf3: {  	v5 =	vand.u32 $0x3F, v5;
	vm10 =	vmand vm0, vm10;
	v63 =	vadd.s32 $0x28, v62;
	[tilespmem:v4+s9+$0x0] =	vst.idx.add.f32.msk vm12, v33  }
0xf4: {  	v9 =	vshrl.u32 v9, $0x4;
	v5 =	vor.u32 v3, v5;
	v18 =	vor.u32 v3, v50;
	[tilespmem:v14+s9+$0x0] =	vst.idx.add.f32.msk vm0, v33  }
0xf5: {  	v9 =	vand.u32 $0x3F, v9;
	vm9 =	vmand vm0, vm9;
	v19 =	vadd.s32 $0x28, v18;
	[tilespmem:v12+s9+$0x0] =	vst.idx.add.f32.msk vm13, v33  }
0xf6: {  	v6 =	vshrl.u32 v6, $0x4;
	v21 =	vor.u32 v3, v21;
	v9 =	vor.u32 v3, v9;
	[tilespmem:v16+s9+$0x0] =	vst.idx.add.f32.msk vm0, v33  }
0xf7: {  	v6 =	vand.u32 $0x3F, v6;
	vm8 =	vmand vm0, vm8;
	v34 =	vadd.s32 $0x28, v21;
	[tilespmem:v8+s9+$0x0] =	vst.idx.add.f32.msk vm11, v33  }
0xf8: {  	v7 =	vshrl.u32 v7, $0x4;
	v35 =	vor.u32 v3, v23;
	v6 =	vor.u32 v3, v6;
	[tilespmem:v63+s9+$0x0] =	vst.idx.add.f32.msk vm0, v33  }
0xf9: {  	v36 =	vand.u32 $0x3F, v7;
	vm7 =	vmand vm0, vm7;
	v37 =	vadd.s32 $0x28, v35;
	[tilespmem:v5+s9+$0x0] =	vst.idx.add.f32.msk vm10, v33  }
0xfa: {  	v38 =	vshrl.u32 v10, $0x4;
	v39 =	vor.u32 v3, v25;
	v4 =	vor.u32 v3, v36;
	[tilespmem:v19+s9+$0x0] =	vst.idx.add.f32.msk vm0, v33  }
0xfb: {  	v7 =	vand.u32 $0x3F, v38;
	vm6 =	vmand vm0, vm6;
	v40 =	vadd.s32 $0x28, v39;
	[tilespmem:v9+s9+$0x0] =	vst.idx.add.f32.msk vm9, v33  }
0xfc: {  	v41 =	vshrl.u32 v11, $0x4;
	v42 =	vor.u32 v3, v27;
	v7 =	vor.u32 v3, v7;
	[tilespmem:v34+s9+$0x0] =	vst.idx.add.f32.msk vm0, v33  }
0xfd: {  	v43 =	vand.u32 $0x3F, v41;
	vm5 =	vmand vm0, vm5;
	v44 =	vadd.s32 $0x28, v42;
	[tilespmem:v6+s9+$0x0] =	vst.idx.add.f32.msk vm8, v33  }
0xfe: {  	v46 =	vor.u32 v3, v55;
	v45 =	vshrl.u32 v20, $0x4;
	v8 =	vor.u32 v3, v43;
	[tilespmem:v37+s9+$0x0] =	vst.idx.add.f32.msk vm0, v33  }
0xff: {  	v48 =	vadd.s32 $0x28, v46;
	v47 =	vand.u32 $0x3F, v45;
	vm4 =	vmand vm0, vm4;
	[tilespmem:v4+s9+$0x0] =	vst.idx.add.f32.msk vm7, v33  }
0x100: {  	v50 =	vor.u32 v3, v56;
	v49 =	vshrl.u32 v22, $0x4;
	v5 =	vor.u32 v3, v47;
	[tilespmem:v40+s9+$0x0] =	vst.idx.add.f32.msk vm0, v33  }
0x101: {  	v52 =	vadd.s32 $0x28, v50;
	v51 =	vand.u32 $0x3F, v49;
	vm3 =	vmand vm0, vm3;
	[tilespmem:v7+s9+$0x0] =	vst.idx.add.f32.msk vm6, v33  }
0x102: {  	v54 =	vor.u32 v3, v57;
	v53 =	vshrl.u32 v24, $0x4;
	v9 =	vor.u32 v3, v51;
	[tilespmem:v44+s9+$0x0] =	vst.idx.add.f32.msk vm0, v33  }
0x103: {  	v56 =	vadd.s32 $0x28, v54;
	v55 =	vand.u32 $0x3F, v53;
	vm2 =	vmand vm0, vm2;
	[tilespmem:v8+s9+$0x0] =	vst.idx.add.f32.msk vm5, v33  }
0x104: {  	v58 =	vor.u32 v3, v58;
	v57 =	vshrl.u32 v26, $0x4;
	v6 =	vor.u32 v3, v55;
	[tilespmem:v48+s9+$0x0] =	vst.idx.add.f32.msk vm0, v33  }
0x105: {  	v60 =	vadd.s32 $0x28, v58;
	vm1 =	vmand vm0, vm1;
	v59 =	vand.u32 $0x3F, v57;
	[tilespmem:v5+s9+$0x0] =	vst.idx.add.f32.msk vm4, v33  }
0x106: {  	v61 =	vor.u32 v3, v32;
	v62 =	vand.u32 $0x1F, v17;
	v4 =	vor.u32 v3, v59;
	[tilespmem:v52+s9+$0x0] =	vst.idx.add.f32.msk vm0, v33  }
0x107: {  	v63 =	vadd.s32 $0x28, v61;
	v3 =	vor.u32 v3, v62;
	[tilespmem:v9+s9+$0x0] =	vst.idx.add.f32.msk vm3, v33  }
0x108: {  	v3 =	vadd.s32 $0x38, v3;
	[tilespmem:v56+s9+$0x0] =	vst.idx.add.f32.msk vm0, v33  }
0x109: {  	[tilespmem:v6+s9+$0x0] =	vst.idx.add.f32.msk vm2, v33  }
0x10a: {  	[tilespmem:v60+s9+$0x0] =	vst.idx.add.f32.msk vm0, v33  }
0x10b: {  	[tilespmem:v4+s9+$0x0] =	vst.idx.add.f32.msk vm1, v33  }
0x10c: {  	[tilespmem:v63+s9+$0x0] =	vst.idx.add.f32.msk vm0, v33  }
.Ltmp7:
0x10d: {  	s13 =	sadd.s32 s5, s13;
	[tilespmem:v3+s9+$0x0] =	vst.idx.add.f32.msk vm0, v2;
	(pc) =	sbr.rel .LBB2_8-.Ltmp7, $4  }
0x10e: {  	[hbm4b:s13+s1] =	stream.linear.scatter [tilespmem:s9], [sflag:$0x1], $0xC000, $0x38;
	[tilespmem:$0x18000] =	vst v63  }
0x10f: {  	_ =	swait.ge [sflag:s10], $0xC000  }
0x110: {  	[sflag:s10] =	ssyncset.done $0x0  }
0x111: {  	[sflag:s10] =	ssyncadd.s32 $0xFFFF4000  }
.LBB2_10:
0x112: {  	_ =	sfence.sel $0x180000  }
0x113: {  	[bflag:$0x0] =	sbarrier.arrive $0xFFFF  }
0x114: {  	p0 =	sne.s32 s3, $0x0;
	_ =	strace $0x90000047  }
0x115: {  	s0 =	sadd.s32 @!p0 $0x100000, s0;
	[bflag:$0x2] =	sbarrier.arrive $0xFFFF  }
0x116: {  	[sflag:s0] =	ssyncadd.tile.s32 @!p0 $0x1;
	_ =	shalt  }
.Lfunc_end2:
_tile_overlayer_lowered:
.L_overlay_start_2:
0x117: {  	(tag) =	ssettag $0x2  }
0x118: {  	s0 =	rddreg [dreg:$0x0];
	s2 =	stileid.u32  }
0x119: {  	s1 =	rddreg [dreg:$0x1];
	p0 =	sne.s32 s2, $0x0  }
0x11a: {  	s3 =	rddreg [dreg:$0x2];
	[bflag:$0x3] =	sbarrier.arrive $0xFFFF;
	s2 =	simm.s32 @!p0 $0x1C01  }
0x11b: {  	[timem:s3], [sflag:s2] =	dma.local @!p0 [hbm:s0], s1  }
0x11c: {  	s0 =	simm.s32 @!p0 $0x1  }
0x11d: {  	_ =	swait.ge @!p0 [sflag:s0], s1  }
0x11e: {  	s1 =	ssub.s32 @!p0 $0x0, s1;
	[sflag:s0] =	ssyncset.done @!p0 $0x0  }
0x11f: {  	[sflag:s0] =	ssyncadd.s32 @!p0 s1  }
0x120: {  	[bflag:$0x3] =	sbarrier.arrive $0xFFFF  }
0x121: {  	_ =	shalt  }

</sc_bundles>
